<compile_context>
chip_gen: v7x
topology: tpu7x:2x2x1
jax: 0.10.2.dev20260603
libtpu: 0.0.44.dev20260713+nightly
codegen_flags: <defaults>
</compile_context>

<pallas_src>
import functools

import jax
import jax.numpy as jnp
from jax import lax
from jax.experimental import pallas as pl
from jax.experimental.pallas import tpu as pltpu
from jax.experimental.pallas import tpu_sc as plsc

N_ROWS = 200
N_COLS = 4096
TABLE_SIZE = 100000
_info = plsc.get_sparse_core_info()
NC, NS, L = _info.num_cores, _info.num_subcores, _info.num_lanes
NW = NC * NS
COLS_PER_W = N_COLS // NW
VREGS_PER_ROW = COLS_PER_W // L
N_CHUNKS = 5
CHUNK = N_ROWS // N_CHUNKS
SEG = 6256
LAST_SEG = TABLE_SIZE - (NS - 1) * SEG


def _gather_body(idx_hbm, table_hbm, out_hbm, table_sh, table_v,
                 in0, in1, out0, out1, sem_t, si0, si1, so0, so1):
    sid = lax.axis_index("s")
    wid = sid * NC + lax.axis_index("c")
    col0 = wid * COLS_PER_W

    ins, outs = (in0, in1), (out0, out1)
    sis, sos = (si0, si1), (so0, so1)

    def start_in(k):
        return pltpu.async_copy(
            idx_hbm.at[pl.ds(k * CHUNK, CHUNK), pl.ds(col0, COLS_PER_W)],
            ins[k % 2], sis[k % 2])

    def start_out(k):
        return pltpu.async_copy(
            outs[k % 2],
            out_hbm.at[pl.ds(k * CHUNK, CHUNK), pl.ds(col0, COLS_PER_W)],
            sos[k % 2])

    in_cps = {0: start_in(0), 1: start_in(1)}

    @pl.when(sid < NS - 1)
    def _():
        pltpu.sync_copy(table_hbm.at[pl.ds(sid * SEG, SEG)],
                        table_v.at[pl.ds(sid * SEG, SEG)])
        pltpu.sync_copy(table_v.at[pl.ds(sid * SEG, SEG)],
                        table_sh.at[pl.ds(sid * SEG, SEG)])

    @pl.when(sid == NS - 1)
    def _():
        pltpu.sync_copy(table_hbm.at[pl.ds((NS - 1) * SEG, LAST_SEG)],
                        table_v.at[pl.ds((NS - 1) * SEG, LAST_SEG)])
        pltpu.sync_copy(table_v.at[pl.ds((NS - 1) * SEG, LAST_SEG)],
                        table_sh.at[pl.ds((NS - 1) * SEG, LAST_SEG)])

    plsc.subcore_barrier()
    table_cp = pltpu.async_copy(table_sh, table_v, sem_t)

    out_cps = {}
    table_cp.wait()

    for k in range(N_CHUNKS):
        in_cps[k].wait()
        if k >= 2:
            out_cps[k - 2].wait()
        iv, ov = ins[k % 2], outs[k % 2]

        @plsc.parallel_loop(0, CHUNK, unroll=4)
        def row_step(r, iv=iv, ov=ov):
            for c in range(VREGS_PER_ROW):
                idxv = iv[r, pl.ds(c * L, L)]
                ov[r, pl.ds(c * L, L)] = plsc.load_gather(table_v, [idxv])

        out_cps[k] = start_out(k)
        if k + 2 < N_CHUNKS:
            in_cps[k + 2] = start_in(k + 2)

    out_cps[N_CHUNKS - 2].wait()
    out_cps[N_CHUNKS - 1].wait()


@functools.partial(
    pl.kernel,
    mesh=plsc.VectorSubcoreMesh(core_axis_name="c", subcore_axis_name="s"),
    out_type=jax.ShapeDtypeStruct((N_ROWS, N_COLS), jnp.float32),
    scratch_types=[
        pltpu.VMEM_SHARED((TABLE_SIZE,), jnp.float32),
        pltpu.VMEM((TABLE_SIZE,), jnp.float32),
        pltpu.VMEM((CHUNK, COLS_PER_W), jnp.int32),
        pltpu.VMEM((CHUNK, COLS_PER_W), jnp.int32),
        pltpu.VMEM((CHUNK, COLS_PER_W), jnp.float32),
        pltpu.VMEM((CHUNK, COLS_PER_W), jnp.float32),
        pltpu.SemaphoreType.DMA,
        pltpu.SemaphoreType.DMA,
        pltpu.SemaphoreType.DMA,
        pltpu.SemaphoreType.DMA,
        pltpu.SemaphoreType.DMA,
    ],
    compiler_params=pltpu.CompilerParams(needs_layout_passes=False),
)
def _gather_kernel(idx_hbm, table_hbm, out_hbm, table_sh, table_v,
                   in0, in1, out0, out1, sem_t, si0, si1, so0, so1):
    _gather_body(idx_hbm, table_hbm, out_hbm, table_sh, table_v,
                 in0, in1, out0, out1, sem_t, si0, si1, so0, so1)


@jax.jit
def kernel(idx, spaxel_values):
    return _gather_kernel(idx.T, spaxel_values).T

# --- scband reference (transcript-rebuilt; emitter-appended) ---
"""Pipeline reference for scband-per-spaxel-80676665688646 (READ-ONLY COPY).

The authoritative reference and input builder live on the scoring server;
editing this copy changes nothing except your own understanding.
"""

import jax, jax.numpy as jnp
import numpy as np

N_SPAXELS = 100000

def setup_inputs(seed: int = 0) -> dict:
    key = jax.random.key(seed)
    k_idx, k_param = jax.random.split(key)
    idx = jax.random.randint(k_idx, (4096, 200), 0, N_SPAXELS, dtype=jnp.int32)
    # learned parameter: 1-D per-spaxel values, sized per init_kwargs (n_spaxels)
    spaxel_values = jax.random.normal(k_param, (N_SPAXELS,), dtype=jnp.float32)
    return {"idx": idx, "spaxel_values": spaxel_values}

def reference(idx, spaxel_values):
    # PerSpaxel.__call__: return self.spaxel_values.val[data.idx]
    return spaxel_values[idx]

if __name__ == "__main__":
    import jax
    _d = setup_inputs()
    print(jax.jit(kernel)(*tuple(_d.values())))

</pallas_src>

<mosaic_0001>
#map = affine_map<(d0, d1) -> (0, 0)>
#map1 = affine_map<(d0, d1) -> (0)>
module attributes {stable_mosaic.version = 14 : i64} {
  func.func @_gather_kernel(%arg0: i32, %arg1: i32, %arg2: memref<200x4096xi32, #tpu.memory_space<hbm>>, %arg3: memref<100000xf32, #tpu.memory_space<hbm>>, %arg4: memref<200x4096xf32, #tpu.memory_space<hbm>>, %arg5: memref<100000xf32, #tpu.memory_space<vmem_shared>>, %arg6: memref<100000xf32, #tpu.memory_space<vmem>>, %arg7: memref<40x128xi32, #tpu.memory_space<vmem>>, %arg8: memref<40x128xi32, #tpu.memory_space<vmem>>, %arg9: memref<40x128xf32, #tpu.memory_space<vmem>>, %arg10: memref<40x128xf32, #tpu.memory_space<vmem>>, %arg11: memref<!tpu.dma_semaphore, #tpu.memory_space<semaphore_mem>>, %arg12: memref<!tpu.dma_semaphore, #tpu.memory_space<semaphore_mem>>, %arg13: memref<!tpu.dma_semaphore, #tpu.memory_space<semaphore_mem>>, %arg14: memref<!tpu.dma_semaphore, #tpu.memory_space<semaphore_mem>>, %arg15: memref<!tpu.dma_semaphore, #tpu.memory_space<semaphore_mem>>) attributes {dimension_semantics = [#tpu.dimension_semantics<core_parallel>, #tpu.dimension_semantics<subcore_parallel>], iteration_bounds = array<i64: 2, 16>, scalar_prefetch = 0 : i64, scratch_operands = 11 : i64, tpu.core_type = #tpu.core_type<sc_vector_subcore>, window_params = [{transform_indices = #map}, {transform_indices = #map1}, {transform_indices = #map}]} {
    %mul3A = arith.constant 2 : i32
    %mul3A_0 = arith.muli %arg1, %mul3A : i32
    %add3A = arith.addi %mul3A_0, %arg0 : i32
    %mul3A_1 = arith.constant 128 : i32
    %mul3A_2 = arith.muli %add3A, %mul3A_1 : i32
    %dma_start3A = arith.constant 0 : i32
    %dma_start3A_3 = tpu.memref_slice %arg2[%dma_start3A, %mul3A_2] : memref<200x4096xi32, #tpu.memory_space<hbm>> -> memref<40x128xi32, #tpu.memory_space<hbm>>
    %dma_start3A_4 = arith.constant 0 : i32
    %dma_start3A_5 = tpu.memref_slice %arg2[%dma_start3A_4, %mul3A_2] : memref<200x4096xi32, #tpu.memory_space<hbm>> -> memref<40x128xi32, #tpu.memory_space<hbm>>
    tpu.enqueue_dma source(%dma_start3A_5 : memref<40x128xi32, #tpu.memory_space<hbm>>) target(%arg7 : memref<40x128xi32, #tpu.memory_space<vmem>>) target_semaphore(%arg12 : memref<!tpu.dma_semaphore, #tpu.memory_space<semaphore_mem>>)
    %dma_start3A_6 = arith.constant 40 : i32
    %dma_start3A_7 = tpu.memref_slice %arg2[%dma_start3A_6, %mul3A_2] : memref<200x4096xi32, #tpu.memory_space<hbm>> -> memref<40x128xi32, #tpu.memory_space<hbm>>
    %dma_start3A_8 = arith.constant 40 : i32
    %dma_start3A_9 = tpu.memref_slice %arg2[%dma_start3A_8, %mul3A_2] : memref<200x4096xi32, #tpu.memory_space<hbm>> -> memref<40x128xi32, #tpu.memory_space<hbm>>
    tpu.enqueue_dma source(%dma_start3A_9 : memref<40x128xi32, #tpu.memory_space<hbm>>) target(%arg8 : memref<40x128xi32, #tpu.memory_space<vmem>>) target_semaphore(%arg13 : memref<!tpu.dma_semaphore, #tpu.memory_space<semaphore_mem>>)
    %lt3A = arith.constant 15 : i32
    %lt3A_10 = arith.cmpi slt, %arg1, %lt3A : i32
    %convert_element_type3A = arith.extui %lt3A_10 : i1 to i32
    %cond3A = arith.constant 0 : i32
    %cond3A_11 = arith.cmpi ne, %convert_element_type3A, %cond3A : i32
    scf.if %cond3A_11 {
      %mul3A_101 = arith.constant 6256 : i32
      %mul3A_102 = arith.muli %arg1, %mul3A_101 : i32
      %mul3A_103 = arith.constant 6256 : i32
      %mul3A_104 = arith.muli %arg1, %mul3A_103 : i32
      "tpu.region"() ({
        %run_scoped3A = tpu.sem_alloc : memref<!tpu.dma_semaphore, #tpu.memory_space<semaphore_mem>>
        %dma_start3A_109 = tpu.memref_slice %arg6[%mul3A_104] : memref<100000xf32, #tpu.memory_space<vmem>> -> memref<6256xf32, #tpu.memory_space<vmem>>
        %dma_start3A_110 = tpu.memref_slice %arg3[%mul3A_102] : memref<100000xf32, #tpu.memory_space<hbm>> -> memref<6256xf32, #tpu.memory_space<hbm>>
        %dma_start3A_111 = tpu.memref_slice %arg6[%mul3A_104] : memref<100000xf32, #tpu.memory_space<vmem>> -> memref<6256xf32, #tpu.memory_space<vmem>>
        %dma_start3A_112 = tpu.memref_slice %arg3[%mul3A_102] : memref<100000xf32, #tpu.memory_space<hbm>> -> memref<6256xf32, #tpu.memory_space<hbm>>
        tpu.enqueue_dma source(%dma_start3A_112 : memref<6256xf32, #tpu.memory_space<hbm>>) target(%dma_start3A_111 : memref<6256xf32, #tpu.memory_space<vmem>>) target_semaphore(%run_scoped3A : memref<!tpu.dma_semaphore, #tpu.memory_space<semaphore_mem>>)
        %dma_wait3A_113 = tpu.memref_slice %arg6[%mul3A_104] : memref<100000xf32, #tpu.memory_space<vmem>> -> memref<6256xf32, #tpu.memory_space<vmem>>
        %dma_wait3A_114 = tpu.memref_slice %arg3[%mul3A_102] : memref<100000xf32, #tpu.memory_space<hbm>> -> memref<6256xf32, #tpu.memory_space<hbm>>
        %dma_wait3A_115 = tpu.memref_slice %arg6[%mul3A_104] : memref<100000xf32, #tpu.memory_space<vmem>> -> memref<6256xf32, #tpu.memory_space<vmem>>
        %dma_wait3A_116 = tpu.memref_slice %arg3[%mul3A_102] : memref<100000xf32, #tpu.memory_space<hbm>> -> memref<6256xf32, #tpu.memory_space<hbm>>
        tpu.wait_dma2 semaphore(%run_scoped3A : memref<!tpu.dma_semaphore, #tpu.memory_space<semaphore_mem>>) src(%dma_wait3A_116 : memref<6256xf32, #tpu.memory_space<hbm>>) dst(%dma_wait3A_115 : memref<6256xf32, #tpu.memory_space<vmem>>)
        tpu.yield
      }) : () -> ()
      %mul3A_105 = arith.constant 6256 : i32
      %mul3A_106 = arith.muli %arg1, %mul3A_105 : i32
      %mul3A_107 = arith.constant 6256 : i32
      %mul3A_108 = arith.muli %arg1, %mul3A_107 : i32
      "tpu.region"() ({
        %run_scoped3A = tpu.sem_alloc : memref<!tpu.dma_semaphore, #tpu.memory_space<semaphore_mem>>
        %dma_start3A_109 = tpu.memref_slice %arg6[%mul3A_106] : memref<100000xf32, #tpu.memory_space<vmem>> -> memref<6256xf32, #tpu.memory_space<vmem>>
        %dma_start3A_110 = tpu.memref_slice %arg5[%mul3A_108] : memref<100000xf32, #tpu.memory_space<vmem_shared>> -> memref<6256xf32, #tpu.memory_space<vmem_shared>>
        %dma_start3A_111 = tpu.memref_slice %arg5[%mul3A_108] : memref<100000xf32, #tpu.memory_space<vmem_shared>> -> memref<6256xf32, #tpu.memory_space<vmem_shared>>
        %dma_start3A_112 = tpu.memref_slice %arg6[%mul3A_106] : memref<100000xf32, #tpu.memory_space<vmem>> -> memref<6256xf32, #tpu.memory_space<vmem>>
        tpu.enqueue_dma source(%dma_start3A_112 : memref<6256xf32, #tpu.memory_space<vmem>>) target(%dma_start3A_111 : memref<6256xf32, #tpu.memory_space<vmem_shared>>) target_semaphore(%run_scoped3A : memref<!tpu.dma_semaphore, #tpu.memory_space<semaphore_mem>>)
        %dma_wait3A_113 = tpu.memref_slice %arg6[%mul3A_106] : memref<100000xf32, #tpu.memory_space<vmem>> -> memref<6256xf32, #tpu.memory_space<vmem>>
        %dma_wait3A_114 = tpu.memref_slice %arg5[%mul3A_108] : memref<100000xf32, #tpu.memory_space<vmem_shared>> -> memref<6256xf32, #tpu.memory_space<vmem_shared>>
        %dma_wait3A_115 = tpu.memref_slice %arg5[%mul3A_108] : memref<100000xf32, #tpu.memory_space<vmem_shared>> -> memref<6256xf32, #tpu.memory_space<vmem_shared>>
        %dma_wait3A_116 = tpu.memref_slice %arg6[%mul3A_106] : memref<100000xf32, #tpu.memory_space<vmem>> -> memref<6256xf32, #tpu.memory_space<vmem>>
        tpu.wait_dma2 semaphore(%run_scoped3A : memref<!tpu.dma_semaphore, #tpu.memory_space<semaphore_mem>>) src(%dma_wait3A_116 : memref<6256xf32, #tpu.memory_space<vmem>>) dst(%dma_wait3A_115 : memref<6256xf32, #tpu.memory_space<vmem_shared>>)
        tpu.yield
      }) : () -> ()
    } else {
    }
    %eq3A = arith.constant 15 : i32
    %eq3A_12 = arith.cmpi eq, %arg1, %eq3A : i32
    %convert_element_type3A_13 = arith.extui %eq3A_12 : i1 to i32
    %cond3A_14 = arith.constant 0 : i32
    %cond3A_15 = arith.cmpi ne, %convert_element_type3A_13, %cond3A_14 : i32
    scf.if %cond3A_15 {
      "tpu.region"() ({
        %run_scoped3A = tpu.sem_alloc : memref<!tpu.dma_semaphore, #tpu.memory_space<semaphore_mem>>
        %dma_start3A_101 = arith.constant 93840 : i32
        %dma_start3A_102 = tpu.memref_slice %arg6[%dma_start3A_101] : memref<100000xf32, #tpu.memory_space<vmem>> -> memref<6160xf32, #tpu.memory_space<vmem>>
        %dma_start3A_103 = arith.constant 93840 : i32
        %dma_start3A_104 = tpu.memref_slice %arg3[%dma_start3A_103] : memref<100000xf32, #tpu.memory_space<hbm>> -> memref<6160xf32, #tpu.memory_space<hbm>>
        %dma_start3A_105 = arith.constant 93840 : i32
        %dma_start3A_106 = tpu.memref_slice %arg6[%dma_start3A_105] : memref<100000xf32, #tpu.memory_space<vmem>> -> memref<6160xf32, #tpu.memory_space<vmem>>
        %dma_start3A_107 = arith.constant 93840 : i32
        %dma_start3A_108 = tpu.memref_slice %arg3[%dma_start3A_107] : memref<100000xf32, #tpu.memory_space<hbm>> -> memref<6160xf32, #tpu.memory_space<hbm>>
        tpu.enqueue_dma source(%dma_start3A_108 : memref<6160xf32, #tpu.memory_space<hbm>>) target(%dma_start3A_106 : memref<6160xf32, #tpu.memory_space<vmem>>) target_semaphore(%run_scoped3A : memref<!tpu.dma_semaphore, #tpu.memory_space<semaphore_mem>>)
        %dma_wait3A_109 = arith.constant 93840 : i32
        %dma_wait3A_110 = tpu.memref_slice %arg6[%dma_wait3A_109] : memref<100000xf32, #tpu.memory_space<vmem>> -> memref<6160xf32, #tpu.memory_space<vmem>>
        %dma_wait3A_111 = arith.constant 93840 : i32
        %dma_wait3A_112 = tpu.memref_slice %arg3[%dma_wait3A_111] : memref<100000xf32, #tpu.memory_space<hbm>> -> memref<6160xf32, #tpu.memory_space<hbm>>
        %dma_wait3A_113 = arith.constant 93840 : i32
        %dma_wait3A_114 = tpu.memref_slice %arg6[%dma_wait3A_113] : memref<100000xf32, #tpu.memory_space<vmem>> -> memref<6160xf32, #tpu.memory_space<vmem>>
        %dma_wait3A_115 = arith.constant 93840 : i32
        %dma_wait3A_116 = tpu.memref_slice %arg3[%dma_wait3A_115] : memref<100000xf32, #tpu.memory_space<hbm>> -> memref<6160xf32, #tpu.memory_space<hbm>>
        tpu.wait_dma2 semaphore(%run_scoped3A : memref<!tpu.dma_semaphore, #tpu.memory_space<semaphore_mem>>) src(%dma_wait3A_116 : memref<6160xf32, #tpu.memory_space<hbm>>) dst(%dma_wait3A_114 : memref<6160xf32, #tpu.memory_space<vmem>>)
        tpu.yield
      }) : () -> ()
      "tpu.region"() ({
        %run_scoped3A = tpu.sem_alloc : memref<!tpu.dma_semaphore, #tpu.memory_space<semaphore_mem>>
        %dma_start3A_101 = arith.constant 93840 : i32
        %dma_start3A_102 = tpu.memref_slice %arg6[%dma_start3A_101] : memref<100000xf32, #tpu.memory_space<vmem>> -> memref<6160xf32, #tpu.memory_space<vmem>>
        %dma_start3A_103 = arith.constant 93840 : i32
        %dma_start3A_104 = tpu.memref_slice %arg5[%dma_start3A_103] : memref<100000xf32, #tpu.memory_space<vmem_shared>> -> memref<6160xf32, #tpu.memory_space<vmem_shared>>
        %dma_start3A_105 = arith.constant 93840 : i32
        %dma_start3A_106 = tpu.memref_slice %arg5[%dma_start3A_105] : memref<100000xf32, #tpu.memory_space<vmem_shared>> -> memref<6160xf32, #tpu.memory_space<vmem_shared>>
        %dma_start3A_107 = arith.constant 93840 : i32
        %dma_start3A_108 = tpu.memref_slice %arg6[%dma_start3A_107] : memref<100000xf32, #tpu.memory_space<vmem>> -> memref<6160xf32, #tpu.memory_space<vmem>>
        tpu.enqueue_dma source(%dma_start3A_108 : memref<6160xf32, #tpu.memory_space<vmem>>) target(%dma_start3A_106 : memref<6160xf32, #tpu.memory_space<vmem_shared>>) target_semaphore(%run_scoped3A : memref<!tpu.dma_semaphore, #tpu.memory_space<semaphore_mem>>)
        %dma_wait3A_109 = arith.constant 93840 : i32
        %dma_wait3A_110 = tpu.memref_slice %arg6[%dma_wait3A_109] : memref<100000xf32, #tpu.memory_space<vmem>> -> memref<6160xf32, #tpu.memory_space<vmem>>
        %dma_wait3A_111 = arith.constant 93840 : i32
        %dma_wait3A_112 = tpu.memref_slice %arg5[%dma_wait3A_111] : memref<100000xf32, #tpu.memory_space<vmem_shared>> -> memref<6160xf32, #tpu.memory_space<vmem_shared>>
        %dma_wait3A_113 = arith.constant 93840 : i32
        %dma_wait3A_114 = tpu.memref_slice %arg5[%dma_wait3A_113] : memref<100000xf32, #tpu.memory_space<vmem_shared>> -> memref<6160xf32, #tpu.memory_space<vmem_shared>>
        %dma_wait3A_115 = arith.constant 93840 : i32
        %dma_wait3A_116 = tpu.memref_slice %arg6[%dma_wait3A_115] : memref<100000xf32, #tpu.memory_space<vmem>> -> memref<6160xf32, #tpu.memory_space<vmem>>
        tpu.wait_dma2 semaphore(%run_scoped3A : memref<!tpu.dma_semaphore, #tpu.memory_space<semaphore_mem>>) src(%dma_wait3A_116 : memref<6160xf32, #tpu.memory_space<vmem>>) dst(%dma_wait3A_114 : memref<6160xf32, #tpu.memory_space<vmem_shared>>)
        tpu.yield
      }) : () -> ()
    } else {
    }
    %barrier3A = arith.constant 0 : index
    tpu.barrier barrier_id(%barrier3A)
    tpu.enqueue_dma source(%arg5 : memref<100000xf32, #tpu.memory_space<vmem_shared>>) target(%arg6 : memref<100000xf32, #tpu.memory_space<vmem>>) target_semaphore(%arg11 : memref<!tpu.dma_semaphore, #tpu.memory_space<semaphore_mem>>)
    tpu.wait_dma2 semaphore(%arg11 : memref<!tpu.dma_semaphore, #tpu.memory_space<semaphore_mem>>) src(%arg5 : memref<100000xf32, #tpu.memory_space<vmem_shared>>) dst(%arg6 : memref<100000xf32, #tpu.memory_space<vmem>>)
    %dma_wait3A = arith.constant 0 : i32
    %dma_wait3A_16 = tpu.memref_slice %arg2[%dma_wait3A, %mul3A_2] : memref<200x4096xi32, #tpu.memory_space<hbm>> -> memref<40x128xi32, #tpu.memory_space<hbm>>
    %dma_wait3A_17 = arith.constant 0 : i32
    %dma_wait3A_18 = tpu.memref_slice %arg2[%dma_wait3A_17, %mul3A_2] : memref<200x4096xi32, #tpu.memory_space<hbm>> -> memref<40x128xi32, #tpu.memory_space<hbm>>
    tpu.wait_dma2 semaphore(%arg12 : memref<!tpu.dma_semaphore, #tpu.memory_space<semaphore_mem>>) src(%dma_wait3A_18 : memref<40x128xi32, #tpu.memory_space<hbm>>) dst(%arg7 : memref<40x128xi32, #tpu.memory_space<vmem>>)
    %parallel_loop3A = arith.constant 0 : i32
    %parallel_loop3A_19 = arith.constant 40 : i32
    %parallel_loop3A_20 = arith.constant 1 : i32
    scf.for %parallel_loop3A_101 = %parallel_loop3A to %parallel_loop3A_19 step %parallel_loop3A_20  : i32 {
      %parallel_loop3A_102 = arith.index_cast %parallel_loop3A_101 : i32 to index
      %parallel_loop3A_103 = arith.constant 0 : index
      %parallel_loop3A_104 = tpu.vector_load %arg7[%parallel_loop3A_102, %parallel_loop3A_103] {strides = array<i32>} : memref<40x128xi32, #tpu.memory_space<vmem>>, vector<16xi32>,
      %parallel_loop3A_105 = tpu.vector_load_idx %arg6[%parallel_loop3A_104] : memref<100000xf32, #tpu.memory_space<vmem>>[vector<16xi32>], vector<16xf32>,
      %parallel_loop3A_106 = arith.index_cast %parallel_loop3A_101 : i32 to index
      %parallel_loop3A_107 = arith.constant 0 : index
      %parallel_loop3A_108 = tpu.vector_load %arg9[%parallel_loop3A_106, %parallel_loop3A_107] {strides = array<i32>} : memref<40x128xf32, #tpu.memory_space<vmem>>, vector<16xf32>,
      tpu.vector_store %arg9[%parallel_loop3A_106, %parallel_loop3A_107], %parallel_loop3A_105 {strides = array<i32>} : memref<40x128xf32, #tpu.memory_space<vmem>>, vector<16xf32>,
      %parallel_loop3A_109 = arith.index_cast %parallel_loop3A_101 : i32 to index
      %parallel_loop3A_110 = arith.constant 16 : index
      %parallel_loop3A_111 = tpu.vector_load %arg7[%parallel_loop3A_109, %parallel_loop3A_110] {strides = array<i32>} : memref<40x128xi32, #tpu.memory_space<vmem>>, vector<16xi32>,
      %parallel_loop3A_112 = tpu.vector_load_idx %arg6[%parallel_loop3A_111] : memref<100000xf32, #tpu.memory_space<vmem>>[vector<16xi32>], vector<16xf32>,
      %parallel_loop3A_113 = arith.index_cast %parallel_loop3A_101 : i32 to index
      %parallel_loop3A_114 = arith.constant 16 : index
      %parallel_loop3A_115 = tpu.vector_load %arg9[%parallel_loop3A_113, %parallel_loop3A_114] {strides = array<i32>} : memref<40x128xf32, #tpu.memory_space<vmem>>, vector<16xf32>,
      tpu.vector_store %arg9[%parallel_loop3A_113, %parallel_loop3A_114], %parallel_loop3A_112 {strides = array<i32>} : memref<40x128xf32, #tpu.memory_space<vmem>>, vector<16xf32>,
      %parallel_loop3A_116 = arith.index_cast %parallel_loop3A_101 : i32 to index
      %parallel_loop3A_117 = arith.constant 32 : index
      %parallel_loop3A_118 = tpu.vector_load %arg7[%parallel_loop3A_116, %parallel_loop3A_117] {strides = array<i32>} : memref<40x128xi32, #tpu.memory_space<vmem>>, vector<16xi32>,
      %parallel_loop3A_119 = tpu.vector_load_idx %arg6[%parallel_loop3A_118] : memref<100000xf32, #tpu.memory_space<vmem>>[vector<16xi32>], vector<16xf32>,
      %parallel_loop3A_120 = arith.index_cast %parallel_loop3A_101 : i32 to index
      %parallel_loop3A_121 = arith.constant 32 : index
      %parallel_loop3A_122 = tpu.vector_load %arg9[%parallel_loop3A_120, %parallel_loop3A_121] {strides = array<i32>} : memref<40x128xf32, #tpu.memory_space<vmem>>, vector<16xf32>,
      tpu.vector_store %arg9[%parallel_loop3A_120, %parallel_loop3A_121], %parallel_loop3A_119 {strides = array<i32>} : memref<40x128xf32, #tpu.memory_space<vmem>>, vector<16xf32>,
      %parallel_loop3A_123 = arith.index_cast %parallel_loop3A_101 : i32 to index
      %parallel_loop3A_124 = arith.constant 48 : index
      %parallel_loop3A_125 = tpu.vector_load %arg7[%parallel_loop3A_123, %parallel_loop3A_124] {strides = array<i32>} : memref<40x128xi32, #tpu.memory_space<vmem>>, vector<16xi32>,
      %parallel_loop3A_126 = tpu.vector_load_idx %arg6[%parallel_loop3A_125] : memref<100000xf32, #tpu.memory_space<vmem>>[vector<16xi32>], vector<16xf32>,
      %parallel_loop3A_127 = arith.index_cast %parallel_loop3A_101 : i32 to index
      %parallel_loop3A_128 = arith.constant 48 : index
      %parallel_loop3A_129 = tpu.vector_load %arg9[%parallel_loop3A_127, %parallel_loop3A_128] {strides = array<i32>} : memref<40x128xf32, #tpu.memory_space<vmem>>, vector<16xf32>,
      tpu.vector_store %arg9[%parallel_loop3A_127, %parallel_loop3A_128], %parallel_loop3A_126 {strides = array<i32>} : memref<40x128xf32, #tpu.memory_space<vmem>>, vector<16xf32>,
      %parallel_loop3A_130 = arith.index_cast %parallel_loop3A_101 : i32 to index
      %parallel_loop3A_131 = arith.constant 64 : index
      %parallel_loop3A_132 = tpu.vector_load %arg7[%parallel_loop3A_130, %parallel_loop3A_131] {strides = array<i32>} : memref<40x128xi32, #tpu.memory_space<vmem>>, vector<16xi32>,
      %parallel_loop3A_133 = tpu.vector_load_idx %arg6[%parallel_loop3A_132] : memref<100000xf32, #tpu.memory_space<vmem>>[vector<16xi32>], vector<16xf32>,
      %parallel_loop3A_134 = arith.index_cast %parallel_loop3A_101 : i32 to index
      %parallel_loop3A_135 = arith.constant 64 : index
      %parallel_loop3A_136 = tpu.vector_load %arg9[%parallel_loop3A_134, %parallel_loop3A_135] {strides = array<i32>} : memref<40x128xf32, #tpu.memory_space<vmem>>, vector<16xf32>,
      tpu.vector_store %arg9[%parallel_loop3A_134, %parallel_loop3A_135], %parallel_loop3A_133 {strides = array<i32>} : memref<40x128xf32, #tpu.memory_space<vmem>>, vector<16xf32>,
      %parallel_loop3A_137 = arith.index_cast %parallel_loop3A_101 : i32 to index
      %parallel_loop3A_138 = arith.constant 80 : index
      %parallel_loop3A_139 = tpu.vector_load %arg7[%parallel_loop3A_137, %parallel_loop3A_138] {strides = array<i32>} : memref<40x128xi32, #tpu.memory_space<vmem>>, vector<16xi32>,
      %parallel_loop3A_140 = tpu.vector_load_idx %arg6[%parallel_loop3A_139] : memref<100000xf32, #tpu.memory_space<vmem>>[vector<16xi32>], vector<16xf32>,
      %parallel_loop3A_141 = arith.index_cast %parallel_loop3A_101 : i32 to index
      %parallel_loop3A_142 = arith.constant 80 : index
      %parallel_loop3A_143 = tpu.vector_load %arg9[%parallel_loop3A_141, %parallel_loop3A_142] {strides = array<i32>} : memref<40x128xf32, #tpu.memory_space<vmem>>, vector<16xf32>,
      tpu.vector_store %arg9[%parallel_loop3A_141, %parallel_loop3A_142], %parallel_loop3A_140 {strides = array<i32>} : memref<40x128xf32, #tpu.memory_space<vmem>>, vector<16xf32>,
      %parallel_loop3A_144 = arith.index_cast %parallel_loop3A_101 : i32 to index
      %parallel_loop3A_145 = arith.constant 96 : index
      %parallel_loop3A_146 = tpu.vector_load %arg7[%parallel_loop3A_144, %parallel_loop3A_145] {strides = array<i32>} : memref<40x128xi32, #tpu.memory_space<vmem>>, vector<16xi32>,
      %parallel_loop3A_147 = tpu.vector_load_idx %arg6[%parallel_loop3A_146] : memref<100000xf32, #tpu.memory_space<vmem>>[vector<16xi32>], vector<16xf32>,
      %parallel_loop3A_148 = arith.index_cast %parallel_loop3A_101 : i32 to index
      %parallel_loop3A_149 = arith.constant 96 : index
      %parallel_loop3A_150 = tpu.vector_load %arg9[%parallel_loop3A_148, %parallel_loop3A_149] {strides = array<i32>} : memref<40x128xf32, #tpu.memory_space<vmem>>, vector<16xf32>,
      tpu.vector_store %arg9[%parallel_loop3A_148, %parallel_loop3A_149], %parallel_loop3A_147 {strides = array<i32>} : memref<40x128xf32, #tpu.memory_space<vmem>>, vector<16xf32>,
      %parallel_loop3A_151 = arith.index_cast %parallel_loop3A_101 : i32 to index
      %parallel_loop3A_152 = arith.constant 112 : index
      %parallel_loop3A_153 = tpu.vector_load %arg7[%parallel_loop3A_151, %parallel_loop3A_152] {strides = array<i32>} : memref<40x128xi32, #tpu.memory_space<vmem>>, vector<16xi32>,
      %parallel_loop3A_154 = tpu.vector_load_idx %arg6[%parallel_loop3A_153] : memref<100000xf32, #tpu.memory_space<vmem>>[vector<16xi32>], vector<16xf32>,
      %parallel_loop3A_155 = arith.index_cast %parallel_loop3A_101 : i32 to index
      %parallel_loop3A_156 = arith.constant 112 : index
      %parallel_loop3A_157 = tpu.vector_load %arg9[%parallel_loop3A_155, %parallel_loop3A_156] {strides = array<i32>} : memref<40x128xf32, #tpu.memory_space<vmem>>, vector<16xf32>,
      tpu.vector_store %arg9[%parallel_loop3A_155, %parallel_loop3A_156], %parallel_loop3A_154 {strides = array<i32>} : memref<40x128xf32, #tpu.memory_space<vmem>>, vector<16xf32>,
    } {sc.loop_unroll_factor = 4 : i64, sc.parallel_access}
    %dma_start3A_21 = arith.constant 0 : i32
    %dma_start3A_22 = tpu.memref_slice %arg4[%dma_start3A_21, %mul3A_2] : memref<200x4096xf32, #tpu.memory_space<hbm>> -> memref<40x128xf32, #tpu.memory_space<hbm>>
    %dma_start3A_23 = arith.constant 0 : i32
    %dma_start3A_24 = tpu.memref_slice %arg4[%dma_start3A_23, %mul3A_2] : memref<200x4096xf32, #tpu.memory_space<hbm>> -> memref<40x128xf32, #tpu.memory_space<hbm>>
    tpu.enqueue_dma source(%arg9 : memref<40x128xf32, #tpu.memory_space<vmem>>) target(%dma_start3A_24 : memref<40x128xf32, #tpu.memory_space<hbm>>) target_semaphore(%arg14 : memref<!tpu.dma_semaphore, #tpu.memory_space<semaphore_mem>>)
    %dma_start3A_25 = arith.constant 80 : i32
    %dma_start3A_26 = tpu.memref_slice %arg2[%dma_start3A_25, %mul3A_2] : memref<200x4096xi32, #tpu.memory_space<hbm>> -> memref<40x128xi32, #tpu.memory_space<hbm>>
    %dma_start3A_27 = arith.constant 80 : i32
    %dma_start3A_28 = tpu.memref_slice %arg2[%dma_start3A_27, %mul3A_2] : memref<200x4096xi32, #tpu.memory_space<hbm>> -> memref<40x128xi32, #tpu.memory_space<hbm>>
    tpu.enqueue_dma source(%dma_start3A_28 : memref<40x128xi32, #tpu.memory_space<hbm>>) target(%arg7 : memref<40x128xi32, #tpu.memory_space<vmem>>) target_semaphore(%arg12 : memref<!tpu.dma_semaphore, #tpu.memory_space<semaphore_mem>>)
    %dma_wait3A_29 = arith.constant 40 : i32
    %dma_wait3A_30 = tpu.memref_slice %arg2[%dma_wait3A_29, %mul3A_2] : memref<200x4096xi32, #tpu.memory_space<hbm>> -> memref<40x128xi32, #tpu.memory_space<hbm>>
    %dma_wait3A_31 = arith.constant 40 : i32
    %dma_wait3A_32 = tpu.memref_slice %arg2[%dma_wait3A_31, %mul3A_2] : memref<200x4096xi32, #tpu.memory_space<hbm>> -> memref<40x128xi32, #tpu.memory_space<hbm>>
    tpu.wait_dma2 semaphore(%arg13 : memref<!tpu.dma_semaphore, #tpu.memory_space<semaphore_mem>>) src(%dma_wait3A_32 : memref<40x128xi32, #tpu.memory_space<hbm>>) dst(%arg8 : memref<40x128xi32, #tpu.memory_space<vmem>>)
    %parallel_loop3A_33 = arith.constant 0 : i32
    %parallel_loop3A_34 = arith.constant 40 : i32
    %parallel_loop3A_35 = arith.constant 1 : i32
    scf.for %parallel_loop3A_101 = %parallel_loop3A_33 to %parallel_loop3A_34 step %parallel_loop3A_35  : i32 {
      %parallel_loop3A_102 = arith.index_cast %parallel_loop3A_101 : i32 to index
      %parallel_loop3A_103 = arith.constant 0 : index
      %parallel_loop3A_104 = tpu.vector_load %arg8[%parallel_loop3A_102, %parallel_loop3A_103] {strides = array<i32>} : memref<40x128xi32, #tpu.memory_space<vmem>>, vector<16xi32>,
      %parallel_loop3A_105 = tpu.vector_load_idx %arg6[%parallel_loop3A_104] : memref<100000xf32, #tpu.memory_space<vmem>>[vector<16xi32>], vector<16xf32>,
      %parallel_loop3A_106 = arith.index_cast %parallel_loop3A_101 : i32 to index
      %parallel_loop3A_107 = arith.constant 0 : index
      %parallel_loop3A_108 = tpu.vector_load %arg10[%parallel_loop3A_106, %parallel_loop3A_107] {strides = array<i32>} : memref<40x128xf32, #tpu.memory_space<vmem>>, vector<16xf32>,
      tpu.vector_store %arg10[%parallel_loop3A_106, %parallel_loop3A_107], %parallel_loop3A_105 {strides = array<i32>} : memref<40x128xf32, #tpu.memory_space<vmem>>, vector<16xf32>,
      %parallel_loop3A_109 = arith.index_cast %parallel_loop3A_101 : i32 to index
      %parallel_loop3A_110 = arith.constant 16 : index
      %parallel_loop3A_111 = tpu.vector_load %arg8[%parallel_loop3A_109, %parallel_loop3A_110] {strides = array<i32>} : memref<40x128xi32, #tpu.memory_space<vmem>>, vector<16xi32>,
      %parallel_loop3A_112 = tpu.vector_load_idx %arg6[%parallel_loop3A_111] : memref<100000xf32, #tpu.memory_space<vmem>>[vector<16xi32>], vector<16xf32>,
      %parallel_loop3A_113 = arith.index_cast %parallel_loop3A_101 : i32 to index
      %parallel_loop3A_114 = arith.constant 16 : index
      %parallel_loop3A_115 = tpu.vector_load %arg10[%parallel_loop3A_113, %parallel_loop3A_114] {strides = array<i32>} : memref<40x128xf32, #tpu.memory_space<vmem>>, vector<16xf32>,
      tpu.vector_store %arg10[%parallel_loop3A_113, %parallel_loop3A_114], %parallel_loop3A_112 {strides = array<i32>} : memref<40x128xf32, #tpu.memory_space<vmem>>, vector<16xf32>,
      %parallel_loop3A_116 = arith.index_cast %parallel_loop3A_101 : i32 to index
      %parallel_loop3A_117 = arith.constant 32 : index
      %parallel_loop3A_118 = tpu.vector_load %arg8[%parallel_loop3A_116, %parallel_loop3A_117] {strides = array<i32>} : memref<40x128xi32, #tpu.memory_space<vmem>>, vector<16xi32>,
      %parallel_loop3A_119 = tpu.vector_load_idx %arg6[%parallel_loop3A_118] : memref<100000xf32, #tpu.memory_space<vmem>>[vector<16xi32>], vector<16xf32>,
      %parallel_loop3A_120 = arith.index_cast %parallel_loop3A_101 : i32 to index
      %parallel_loop3A_121 = arith.constant 32 : index
      %parallel_loop3A_122 = tpu.vector_load %arg10[%parallel_loop3A_120, %parallel_loop3A_121] {strides = array<i32>} : memref<40x128xf32, #tpu.memory_space<vmem>>, vector<16xf32>,
      tpu.vector_store %arg10[%parallel_loop3A_120, %parallel_loop3A_121], %parallel_loop3A_119 {strides = array<i32>} : memref<40x128xf32, #tpu.memory_space<vmem>>, vector<16xf32>,
      %parallel_loop3A_123 = arith.index_cast %parallel_loop3A_101 : i32 to index
      %parallel_loop3A_124 = arith.constant 48 : index
      %parallel_loop3A_125 = tpu.vector_load %arg8[%parallel_loop3A_123, %parallel_loop3A_124] {strides = array<i32>} : memref<40x128xi32, #tpu.memory_space<vmem>>, vector<16xi32>,
      %parallel_loop3A_126 = tpu.vector_load_idx %arg6[%parallel_loop3A_125] : memref<100000xf32, #tpu.memory_space<vmem>>[vector<16xi32>], vector<16xf32>,
      %parallel_loop3A_127 = arith.index_cast %parallel_loop3A_101 : i32 to index
      %parallel_loop3A_128 = arith.constant 48 : index
      %parallel_loop3A_129 = tpu.vector_load %arg10[%parallel_loop3A_127, %parallel_loop3A_128] {strides = array<i32>} : memref<40x128xf32, #tpu.memory_space<vmem>>, vector<16xf32>,
      tpu.vector_store %arg10[%parallel_loop3A_127, %parallel_loop3A_128], %parallel_loop3A_126 {strides = array<i32>} : memref<40x128xf32, #tpu.memory_space<vmem>>, vector<16xf32>,
      %parallel_loop3A_130 = arith.index_cast %parallel_loop3A_101 : i32 to index
      %parallel_loop3A_131 = arith.constant 64 : index
      %parallel_loop3A_132 = tpu.vector_load %arg8[%parallel_loop3A_130, %parallel_loop3A_131] {strides = array<i32>} : memref<40x128xi32, #tpu.memory_space<vmem>>, vector<16xi32>,
      %parallel_loop3A_133 = tpu.vector_load_idx %arg6[%parallel_loop3A_132] : memref<100000xf32, #tpu.memory_space<vmem>>[vector<16xi32>], vector<16xf32>,
      %parallel_loop3A_134 = arith.index_cast %parallel_loop3A_101 : i32 to index
      %parallel_loop3A_135 = arith.constant 64 : index
      %parallel_loop3A_136 = tpu.vector_load %arg10[%parallel_loop3A_134, %parallel_loop3A_135] {strides = array<i32>} : memref<40x128xf32, #tpu.memory_space<vmem>>, vector<16xf32>,
      tpu.vector_store %arg10[%parallel_loop3A_134, %parallel_loop3A_135], %parallel_loop3A_133 {strides = array<i32>} : memref<40x128xf32, #tpu.memory_space<vmem>>, vector<16xf32>,
      %parallel_loop3A_137 = arith.index_cast %parallel_loop3A_101 : i32 to index
      %parallel_loop3A_138 = arith.constant 80 : index
      %parallel_loop3A_139 = tpu.vector_load %arg8[%parallel_loop3A_137, %parallel_loop3A_138] {strides = array<i32>} : memref<40x128xi32, #tpu.memory_space<vmem>>, vector<16xi32>,
      %parallel_loop3A_140 = tpu.vector_load_idx %arg6[%parallel_loop3A_139] : memref<100000xf32, #tpu.memory_space<vmem>>[vector<16xi32>], vector<16xf32>,
      %parallel_loop3A_141 = arith.index_cast %parallel_loop3A_101 : i32 to index
      %parallel_loop3A_142 = arith.constant 80 : index
      %parallel_loop3A_143 = tpu.vector_load %arg10[%parallel_loop3A_141, %parallel_loop3A_142] {strides = array<i32>} : memref<40x128xf32, #tpu.memory_space<vmem>>, vector<16xf32>,
      tpu.vector_store %arg10[%parallel_loop3A_141, %parallel_loop3A_142], %parallel_loop3A_140 {strides = array<i32>} : memref<40x128xf32, #tpu.memory_space<vmem>>, vector<16xf32>,
      %parallel_loop3A_144 = arith.index_cast %parallel_loop3A_101 : i32 to index
      %parallel_loop3A_145 = arith.constant 96 : index
      %parallel_loop3A_146 = tpu.vector_load %arg8[%parallel_loop3A_144, %parallel_loop3A_145] {strides = array<i32>} : memref<40x128xi32, #tpu.memory_space<vmem>>, vector<16xi32>,
      %parallel_loop3A_147 = tpu.vector_load_idx %arg6[%parallel_loop3A_146] : memref<100000xf32, #tpu.memory_space<vmem>>[vector<16xi32>], vector<16xf32>,
      %parallel_loop3A_148 = arith.index_cast %parallel_loop3A_101 : i32 to index
      %parallel_loop3A_149 = arith.constant 96 : index
      %parallel_loop3A_150 = tpu.vector_load %arg10[%parallel_loop3A_148, %parallel_loop3A_149] {strides = array<i32>} : memref<40x128xf32, #tpu.memory_space<vmem>>, vector<16xf32>,
      tpu.vector_store %arg10[%parallel_loop3A_148, %parallel_loop3A_149], %parallel_loop3A_147 {strides = array<i32>} : memref<40x128xf32, #tpu.memory_space<vmem>>, vector<16xf32>,
      %parallel_loop3A_151 = arith.index_cast %parallel_loop3A_101 : i32 to index
      %parallel_loop3A_152 = arith.constant 112 : index
      %parallel_loop3A_153 = tpu.vector_load %arg8[%parallel_loop3A_151, %parallel_loop3A_152] {strides = array<i32>} : memref<40x128xi32, #tpu.memory_space<vmem>>, vector<16xi32>,
      %parallel_loop3A_154 = tpu.vector_load_idx %arg6[%parallel_loop3A_153] : memref<100000xf32, #tpu.memory_space<vmem>>[vector<16xi32>], vector<16xf32>,
      %parallel_loop3A_155 = arith.index_cast %parallel_loop3A_101 : i32 to index
      %parallel_loop3A_156 = arith.constant 112 : index
      %parallel_loop3A_157 = tpu.vector_load %arg10[%parallel_loop3A_155, %parallel_loop3A_156] {strides = array<i32>} : memref<40x128xf32, #tpu.memory_space<vmem>>, vector<16xf32>,
      tpu.vector_store %arg10[%parallel_loop3A_155, %parallel_loop3A_156], %parallel_loop3A_154 {strides = array<i32>} : memref<40x128xf32, #tpu.memory_space<vmem>>, vector<16xf32>,
    } {sc.loop_unroll_factor = 4 : i64, sc.parallel_access}
    %dma_start3A_36 = arith.constant 40 : i32
    %dma_start3A_37 = tpu.memref_slice %arg4[%dma_start3A_36, %mul3A_2] : memref<200x4096xf32, #tpu.memory_space<hbm>> -> memref<40x128xf32, #tpu.memory_space<hbm>>
    %dma_start3A_38 = arith.constant 40 : i32
    %dma_start3A_39 = tpu.memref_slice %arg4[%dma_start3A_38, %mul3A_2] : memref<200x4096xf32, #tpu.memory_space<hbm>> -> memref<40x128xf32, #tpu.memory_space<hbm>>
    tpu.enqueue_dma source(%arg10 : memref<40x128xf32, #tpu.memory_space<vmem>>) target(%dma_start3A_39 : memref<40x128xf32, #tpu.memory_space<hbm>>) target_semaphore(%arg15 : memref<!tpu.dma_semaphore, #tpu.memory_space<semaphore_mem>>)
    %dma_start3A_40 = arith.constant 120 : i32
    %dma_start3A_41 = tpu.memref_slice %arg2[%dma_start3A_40, %mul3A_2] : memref<200x4096xi32, #tpu.memory_space<hbm>> -> memref<40x128xi32, #tpu.memory_space<hbm>>
    %dma_start3A_42 = arith.constant 120 : i32
    %dma_start3A_43 = tpu.memref_slice %arg2[%dma_start3A_42, %mul3A_2] : memref<200x4096xi32, #tpu.memory_space<hbm>> -> memref<40x128xi32, #tpu.memory_space<hbm>>
    tpu.enqueue_dma source(%dma_start3A_43 : memref<40x128xi32, #tpu.memory_space<hbm>>) target(%arg8 : memref<40x128xi32, #tpu.memory_space<vmem>>) target_semaphore(%arg13 : memref<!tpu.dma_semaphore, #tpu.memory_space<semaphore_mem>>)
    %dma_wait3A_44 = arith.constant 80 : i32
    %dma_wait3A_45 = tpu.memref_slice %arg2[%dma_wait3A_44, %mul3A_2] : memref<200x4096xi32, #tpu.memory_space<hbm>> -> memref<40x128xi32, #tpu.memory_space<hbm>>
    %dma_wait3A_46 = arith.constant 80 : i32
    %dma_wait3A_47 = tpu.memref_slice %arg2[%dma_wait3A_46, %mul3A_2] : memref<200x4096xi32, #tpu.memory_space<hbm>> -> memref<40x128xi32, #tpu.memory_space<hbm>>
    tpu.wait_dma2 semaphore(%arg12 : memref<!tpu.dma_semaphore, #tpu.memory_space<semaphore_mem>>) src(%dma_wait3A_47 : memref<40x128xi32, #tpu.memory_space<hbm>>) dst(%arg7 : memref<40x128xi32, #tpu.memory_space<vmem>>)
    %dma_wait3A_48 = arith.constant 0 : i32
    %dma_wait3A_49 = tpu.memref_slice %arg4[%dma_wait3A_48, %mul3A_2] : memref<200x4096xf32, #tpu.memory_space<hbm>> -> memref<40x128xf32, #tpu.memory_space<hbm>>
    %dma_wait3A_50 = arith.constant 0 : i32
    %dma_wait3A_51 = tpu.memref_slice %arg4[%dma_wait3A_50, %mul3A_2] : memref<200x4096xf32, #tpu.memory_space<hbm>> -> memref<40x128xf32, #tpu.memory_space<hbm>>
    tpu.wait_dma2 semaphore(%arg14 : memref<!tpu.dma_semaphore, #tpu.memory_space<semaphore_mem>>) src(%arg9 : memref<40x128xf32, #tpu.memory_space<vmem>>) dst(%dma_wait3A_51 : memref<40x128xf32, #tpu.memory_space<hbm>>)
    %parallel_loop3A_52 = arith.constant 0 : i32
    %parallel_loop3A_53 = arith.constant 40 : i32
    %parallel_loop3A_54 = arith.constant 1 : i32
    scf.for %parallel_loop3A_101 = %parallel_loop3A_52 to %parallel_loop3A_53 step %parallel_loop3A_54  : i32 {
      %parallel_loop3A_102 = arith.index_cast %parallel_loop3A_101 : i32 to index
      %parallel_loop3A_103 = arith.constant 0 : index
      %parallel_loop3A_104 = tpu.vector_load %arg7[%parallel_loop3A_102, %parallel_loop3A_103] {strides = array<i32>} : memref<40x128xi32, #tpu.memory_space<vmem>>, vector<16xi32>,
      %parallel_loop3A_105 = tpu.vector_load_idx %arg6[%parallel_loop3A_104] : memref<100000xf32, #tpu.memory_space<vmem>>[vector<16xi32>], vector<16xf32>,
      %parallel_loop3A_106 = arith.index_cast %parallel_loop3A_101 : i32 to index
      %parallel_loop3A_107 = arith.constant 0 : index
      %parallel_loop3A_108 = tpu.vector_load %arg9[%parallel_loop3A_106, %parallel_loop3A_107] {strides = array<i32>} : memref<40x128xf32, #tpu.memory_space<vmem>>, vector<16xf32>,
      tpu.vector_store %arg9[%parallel_loop3A_106, %parallel_loop3A_107], %parallel_loop3A_105 {strides = array<i32>} : memref<40x128xf32, #tpu.memory_space<vmem>>, vector<16xf32>,
      %parallel_loop3A_109 = arith.index_cast %parallel_loop3A_101 : i32 to index
      %parallel_loop3A_110 = arith.constant 16 : index
      %parallel_loop3A_111 = tpu.vector_load %arg7[%parallel_loop3A_109, %parallel_loop3A_110] {strides = array<i32>} : memref<40x128xi32, #tpu.memory_space<vmem>>, vector<16xi32>,
      %parallel_loop3A_112 = tpu.vector_load_idx %arg6[%parallel_loop3A_111] : memref<100000xf32, #tpu.memory_space<vmem>>[vector<16xi32>], vector<16xf32>,
      %parallel_loop3A_113 = arith.index_cast %parallel_loop3A_101 : i32 to index
      %parallel_loop3A_114 = arith.constant 16 : index
      %parallel_loop3A_115 = tpu.vector_load %arg9[%parallel_loop3A_113, %parallel_loop3A_114] {strides = array<i32>} : memref<40x128xf32, #tpu.memory_space<vmem>>, vector<16xf32>,
      tpu.vector_store %arg9[%parallel_loop3A_113, %parallel_loop3A_114], %parallel_loop3A_112 {strides = array<i32>} : memref<40x128xf32, #tpu.memory_space<vmem>>, vector<16xf32>,
      %parallel_loop3A_116 = arith.index_cast %parallel_loop3A_101 : i32 to index
      %parallel_loop3A_117 = arith.constant 32 : index
      %parallel_loop3A_118 = tpu.vector_load %arg7[%parallel_loop3A_116, %parallel_loop3A_117] {strides = array<i32>} : memref<40x128xi32, #tpu.memory_space<vmem>>, vector<16xi32>,
      %parallel_loop3A_119 = tpu.vector_load_idx %arg6[%parallel_loop3A_118] : memref<100000xf32, #tpu.memory_space<vmem>>[vector<16xi32>], vector<16xf32>,
      %parallel_loop3A_120 = arith.index_cast %parallel_loop3A_101 : i32 to index
      %parallel_loop3A_121 = arith.constant 32 : index
      %parallel_loop3A_122 = tpu.vector_load %arg9[%parallel_loop3A_120, %parallel_loop3A_121] {strides = array<i32>} : memref<40x128xf32, #tpu.memory_space<vmem>>, vector<16xf32>,
      tpu.vector_store %arg9[%parallel_loop3A_120, %parallel_loop3A_121], %parallel_loop3A_119 {strides = array<i32>} : memref<40x128xf32, #tpu.memory_space<vmem>>, vector<16xf32>,
      %parallel_loop3A_123 = arith.index_cast %parallel_loop3A_101 : i32 to index
      %parallel_loop3A_124 = arith.constant 48 : index
      %parallel_loop3A_125 = tpu.vector_load %arg7[%parallel_loop3A_123, %parallel_loop3A_124] {strides = array<i32>} : memref<40x128xi32, #tpu.memory_space<vmem>>, vector<16xi32>,
      %parallel_loop3A_126 = tpu.vector_load_idx %arg6[%parallel_loop3A_125] : memref<100000xf32, #tpu.memory_space<vmem>>[vector<16xi32>], vector<16xf32>,
      %parallel_loop3A_127 = arith.index_cast %parallel_loop3A_101 : i32 to index
      %parallel_loop3A_128 = arith.constant 48 : index
      %parallel_loop3A_129 = tpu.vector_load %arg9[%parallel_loop3A_127, %parallel_loop3A_128] {strides = array<i32>} : memref<40x128xf32, #tpu.memory_space<vmem>>, vector<16xf32>,
      tpu.vector_store %arg9[%parallel_loop3A_127, %parallel_loop3A_128], %parallel_loop3A_126 {strides = array<i32>} : memref<40x128xf32, #tpu.memory_space<vmem>>, vector<16xf32>,
      %parallel_loop3A_130 = arith.index_cast %parallel_loop3A_101 : i32 to index
      %parallel_loop3A_131 = arith.constant 64 : index
      %parallel_loop3A_132 = tpu.vector_load %arg7[%parallel_loop3A_130, %parallel_loop3A_131] {strides = array<i32>} : memref<40x128xi32, #tpu.memory_space<vmem>>, vector<16xi32>,
      %parallel_loop3A_133 = tpu.vector_load_idx %arg6[%parallel_loop3A_132] : memref<100000xf32, #tpu.memory_space<vmem>>[vector<16xi32>], vector<16xf32>,
      %parallel_loop3A_134 = arith.index_cast %parallel_loop3A_101 : i32 to index
      %parallel_loop3A_135 = arith.constant 64 : index
      %parallel_loop3A_136 = tpu.vector_load %arg9[%parallel_loop3A_134, %parallel_loop3A_135] {strides = array<i32>} : memref<40x128xf32, #tpu.memory_space<vmem>>, vector<16xf32>,
      tpu.vector_store %arg9[%parallel_loop3A_134, %parallel_loop3A_135], %parallel_loop3A_133 {strides = array<i32>} : memref<40x128xf32, #tpu.memory_space<vmem>>, vector<16xf32>,
      %parallel_loop3A_137 = arith.index_cast %parallel_loop3A_101 : i32 to index
      %parallel_loop3A_138 = arith.constant 80 : index
      %parallel_loop3A_139 = tpu.vector_load %arg7[%parallel_loop3A_137, %parallel_loop3A_138] {strides = array<i32>} : memref<40x128xi32, #tpu.memory_space<vmem>>, vector<16xi32>,
      %parallel_loop3A_140 = tpu.vector_load_idx %arg6[%parallel_loop3A_139] : memref<100000xf32, #tpu.memory_space<vmem>>[vector<16xi32>], vector<16xf32>,
      %parallel_loop3A_141 = arith.index_cast %parallel_loop3A_101 : i32 to index
      %parallel_loop3A_142 = arith.constant 80 : index
      %parallel_loop3A_143 = tpu.vector_load %arg9[%parallel_loop3A_141, %parallel_loop3A_142] {strides = array<i32>} : memref<40x128xf32, #tpu.memory_space<vmem>>, vector<16xf32>,
      tpu.vector_store %arg9[%parallel_loop3A_141, %parallel_loop3A_142], %parallel_loop3A_140 {strides = array<i32>} : memref<40x128xf32, #tpu.memory_space<vmem>>, vector<16xf32>,
      %parallel_loop3A_144 = arith.index_cast %parallel_loop3A_101 : i32 to index
      %parallel_loop3A_145 = arith.constant 96 : index
      %parallel_loop3A_146 = tpu.vector_load %arg7[%parallel_loop3A_144, %parallel_loop3A_145] {strides = array<i32>} : memref<40x128xi32, #tpu.memory_space<vmem>>, vector<16xi32>,
      %parallel_loop3A_147 = tpu.vector_load_idx %arg6[%parallel_loop3A_146] : memref<100000xf32, #tpu.memory_space<vmem>>[vector<16xi32>], vector<16xf32>,
      %parallel_loop3A_148 = arith.index_cast %parallel_loop3A_101 : i32 to index
      %parallel_loop3A_149 = arith.constant 96 : index
      %parallel_loop3A_150 = tpu.vector_load %arg9[%parallel_loop3A_148, %parallel_loop3A_149] {strides = array<i32>} : memref<40x128xf32, #tpu.memory_space<vmem>>, vector<16xf32>,
      tpu.vector_store %arg9[%parallel_loop3A_148, %parallel_loop3A_149], %parallel_loop3A_147 {strides = array<i32>} : memref<40x128xf32, #tpu.memory_space<vmem>>, vector<16xf32>,
      %parallel_loop3A_151 = arith.index_cast %parallel_loop3A_101 : i32 to index
      %parallel_loop3A_152 = arith.constant 112 : index
      %parallel_loop3A_153 = tpu.vector_load %arg7[%parallel_loop3A_151, %parallel_loop3A_152] {strides = array<i32>} : memref<40x128xi32, #tpu.memory_space<vmem>>, vector<16xi32>,
      %parallel_loop3A_154 = tpu.vector_load_idx %arg6[%parallel_loop3A_153] : memref<100000xf32, #tpu.memory_space<vmem>>[vector<16xi32>], vector<16xf32>,
      %parallel_loop3A_155 = arith.index_cast %parallel_loop3A_101 : i32 to index
      %parallel_loop3A_156 = arith.constant 112 : index
      %parallel_loop3A_157 = tpu.vector_load %arg9[%parallel_loop3A_155, %parallel_loop3A_156] {strides = array<i32>} : memref<40x128xf32, #tpu.memory_space<vmem>>, vector<16xf32>,
      tpu.vector_store %arg9[%parallel_loop3A_155, %parallel_loop3A_156], %parallel_loop3A_154 {strides = array<i32>} : memref<40x128xf32, #tpu.memory_space<vmem>>, vector<16xf32>,
    } {sc.loop_unroll_factor = 4 : i64, sc.parallel_access}
    %dma_start3A_55 = arith.constant 80 : i32
    %dma_start3A_56 = tpu.memref_slice %arg4[%dma_start3A_55, %mul3A_2] : memref<200x4096xf32, #tpu.memory_space<hbm>> -> memref<40x128xf32, #tpu.memory_space<hbm>>
    %dma_start3A_57 = arith.constant 80 : i32
    %dma_start3A_58 = tpu.memref_slice %arg4[%dma_start3A_57, %mul3A_2] : memref<200x4096xf32, #tpu.memory_space<hbm>> -> memref<40x128xf32, #tpu.memory_space<hbm>>
    tpu.enqueue_dma source(%arg9 : memref<40x128xf32, #tpu.memory_space<vmem>>) target(%dma_start3A_58 : memref<40x128xf32, #tpu.memory_space<hbm>>) target_semaphore(%arg14 : memref<!tpu.dma_semaphore, #tpu.memory_space<semaphore_mem>>)
    %dma_start3A_59 = arith.constant 160 : i32
    %dma_start3A_60 = tpu.memref_slice %arg2[%dma_start3A_59, %mul3A_2] : memref<200x4096xi32, #tpu.memory_space<hbm>> -> memref<40x128xi32, #tpu.memory_space<hbm>>
    %dma_start3A_61 = arith.constant 160 : i32
    %dma_start3A_62 = tpu.memref_slice %arg2[%dma_start3A_61, %mul3A_2] : memref<200x4096xi32, #tpu.memory_space<hbm>> -> memref<40x128xi32, #tpu.memory_space<hbm>>
    tpu.enqueue_dma source(%dma_start3A_62 : memref<40x128xi32, #tpu.memory_space<hbm>>) target(%arg7 : memref<40x128xi32, #tpu.memory_space<vmem>>) target_semaphore(%arg12 : memref<!tpu.dma_semaphore, #tpu.memory_space<semaphore_mem>>)
    %dma_wait3A_63 = arith.constant 120 : i32
    %dma_wait3A_64 = tpu.memref_slice %arg2[%dma_wait3A_63, %mul3A_2] : memref<200x4096xi32, #tpu.memory_space<hbm>> -> memref<40x128xi32, #tpu.memory_space<hbm>>
    %dma_wait3A_65 = arith.constant 120 : i32
    %dma_wait3A_66 = tpu.memref_slice %arg2[%dma_wait3A_65, %mul3A_2] : memref<200x4096xi32, #tpu.memory_space<hbm>> -> memref<40x128xi32, #tpu.memory_space<hbm>>
    tpu.wait_dma2 semaphore(%arg13 : memref<!tpu.dma_semaphore, #tpu.memory_space<semaphore_mem>>) src(%dma_wait3A_66 : memref<40x128xi32, #tpu.memory_space<hbm>>) dst(%arg8 : memref<40x128xi32, #tpu.memory_space<vmem>>)
    %dma_wait3A_67 = arith.constant 40 : i32
    %dma_wait3A_68 = tpu.memref_slice %arg4[%dma_wait3A_67, %mul3A_2] : memref<200x4096xf32, #tpu.memory_space<hbm>> -> memref<40x128xf32, #tpu.memory_space<hbm>>
    %dma_wait3A_69 = arith.constant 40 : i32
    %dma_wait3A_70 = tpu.memref_slice %arg4[%dma_wait3A_69, %mul3A_2] : memref<200x4096xf32, #tpu.memory_space<hbm>> -> memref<40x128xf32, #tpu.memory_space<hbm>>
    tpu.wait_dma2 semaphore(%arg15 : memref<!tpu.dma_semaphore, #tpu.memory_space<semaphore_mem>>) src(%arg10 : memref<40x128xf32, #tpu.memory_space<vmem>>) dst(%dma_wait3A_70 : memref<40x128xf32, #tpu.memory_space<hbm>>)
    %parallel_loop3A_71 = arith.constant 0 : i32
    %parallel_loop3A_72 = arith.constant 40 : i32
    %parallel_loop3A_73 = arith.constant 1 : i32
    scf.for %parallel_loop3A_101 = %parallel_loop3A_71 to %parallel_loop3A_72 step %parallel_loop3A_73  : i32 {
      %parallel_loop3A_102 = arith.index_cast %parallel_loop3A_101 : i32 to index
      %parallel_loop3A_103 = arith.constant 0 : index
      %parallel_loop3A_104 = tpu.vector_load %arg8[%parallel_loop3A_102, %parallel_loop3A_103] {strides = array<i32>} : memref<40x128xi32, #tpu.memory_space<vmem>>, vector<16xi32>,
      %parallel_loop3A_105 = tpu.vector_load_idx %arg6[%parallel_loop3A_104] : memref<100000xf32, #tpu.memory_space<vmem>>[vector<16xi32>], vector<16xf32>,
      %parallel_loop3A_106 = arith.index_cast %parallel_loop3A_101 : i32 to index
      %parallel_loop3A_107 = arith.constant 0 : index
      %parallel_loop3A_108 = tpu.vector_load %arg10[%parallel_loop3A_106, %parallel_loop3A_107] {strides = array<i32>} : memref<40x128xf32, #tpu.memory_space<vmem>>, vector<16xf32>,
      tpu.vector_store %arg10[%parallel_loop3A_106, %parallel_loop3A_107], %parallel_loop3A_105 {strides = array<i32>} : memref<40x128xf32, #tpu.memory_space<vmem>>, vector<16xf32>,
      %parallel_loop3A_109 = arith.index_cast %parallel_loop3A_101 : i32 to index
      %parallel_loop3A_110 = arith.constant 16 : index
      %parallel_loop3A_111 = tpu.vector_load %arg8[%parallel_loop3A_109, %parallel_loop3A_110] {strides = array<i32>} : memref<40x128xi32, #tpu.memory_space<vmem>>, vector<16xi32>,
      %parallel_loop3A_112 = tpu.vector_load_idx %arg6[%parallel_loop3A_111] : memref<100000xf32, #tpu.memory_space<vmem>>[vector<16xi32>], vector<16xf32>,
      %parallel_loop3A_113 = arith.index_cast %parallel_loop3A_101 : i32 to index
      %parallel_loop3A_114 = arith.constant 16 : index
      %parallel_loop3A_115 = tpu.vector_load %arg10[%parallel_loop3A_113, %parallel_loop3A_114] {strides = array<i32>} : memref<40x128xf32, #tpu.memory_space<vmem>>, vector<16xf32>,
      tpu.vector_store %arg10[%parallel_loop3A_113, %parallel_loop3A_114], %parallel_loop3A_112 {strides = array<i32>} : memref<40x128xf32, #tpu.memory_space<vmem>>, vector<16xf32>,
      %parallel_loop3A_116 = arith.index_cast %parallel_loop3A_101 : i32 to index
      %parallel_loop3A_117 = arith.constant 32 : index
      %parallel_loop3A_118 = tpu.vector_load %arg8[%parallel_loop3A_116, %parallel_loop3A_117] {strides = array<i32>} : memref<40x128xi32, #tpu.memory_space<vmem>>, vector<16xi32>,
      %parallel_loop3A_119 = tpu.vector_load_idx %arg6[%parallel_loop3A_118] : memref<100000xf32, #tpu.memory_space<vmem>>[vector<16xi32>], vector<16xf32>,
      %parallel_loop3A_120 = arith.index_cast %parallel_loop3A_101 : i32 to index
      %parallel_loop3A_121 = arith.constant 32 : index
      %parallel_loop3A_122 = tpu.vector_load %arg10[%parallel_loop3A_120, %parallel_loop3A_121] {strides = array<i32>} : memref<40x128xf32, #tpu.memory_space<vmem>>, vector<16xf32>,
      tpu.vector_store %arg10[%parallel_loop3A_120, %parallel_loop3A_121], %parallel_loop3A_119 {strides = array<i32>} : memref<40x128xf32, #tpu.memory_space<vmem>>, vector<16xf32>,
      %parallel_loop3A_123 = arith.index_cast %parallel_loop3A_101 : i32 to index
      %parallel_loop3A_124 = arith.constant 48 : index
      %parallel_loop3A_125 = tpu.vector_load %arg8[%parallel_loop3A_123, %parallel_loop3A_124] {strides = array<i32>} : memref<40x128xi32, #tpu.memory_space<vmem>>, vector<16xi32>,
      %parallel_loop3A_126 = tpu.vector_load_idx %arg6[%parallel_loop3A_125] : memref<100000xf32, #tpu.memory_space<vmem>>[vector<16xi32>], vector<16xf32>,
      %parallel_loop3A_127 = arith.index_cast %parallel_loop3A_101 : i32 to index
      %parallel_loop3A_128 = arith.constant 48 : index
      %parallel_loop3A_129 = tpu.vector_load %arg10[%parallel_loop3A_127, %parallel_loop3A_128] {strides = array<i32>} : memref<40x128xf32, #tpu.memory_space<vmem>>, vector<16xf32>,
      tpu.vector_store %arg10[%parallel_loop3A_127, %parallel_loop3A_128], %parallel_loop3A_126 {strides = array<i32>} : memref<40x128xf32, #tpu.memory_space<vmem>>, vector<16xf32>,
      %parallel_loop3A_130 = arith.index_cast %parallel_loop3A_101 : i32 to index
      %parallel_loop3A_131 = arith.constant 64 : index
      %parallel_loop3A_132 = tpu.vector_load %arg8[%parallel_loop3A_130, %parallel_loop3A_131] {strides = array<i32>} : memref<40x128xi32, #tpu.memory_space<vmem>>, vector<16xi32>,
      %parallel_loop3A_133 = tpu.vector_load_idx %arg6[%parallel_loop3A_132] : memref<100000xf32, #tpu.memory_space<vmem>>[vector<16xi32>], vector<16xf32>,
      %parallel_loop3A_134 = arith.index_cast %parallel_loop3A_101 : i32 to index
      %parallel_loop3A_135 = arith.constant 64 : index
      %parallel_loop3A_136 = tpu.vector_load %arg10[%parallel_loop3A_134, %parallel_loop3A_135] {strides = array<i32>} : memref<40x128xf32, #tpu.memory_space<vmem>>, vector<16xf32>,
      tpu.vector_store %arg10[%parallel_loop3A_134, %parallel_loop3A_135], %parallel_loop3A_133 {strides = array<i32>} : memref<40x128xf32, #tpu.memory_space<vmem>>, vector<16xf32>,
      %parallel_loop3A_137 = arith.index_cast %parallel_loop3A_101 : i32 to index
      %parallel_loop3A_138 = arith.constant 80 : index
      %parallel_loop3A_139 = tpu.vector_load %arg8[%parallel_loop3A_137, %parallel_loop3A_138] {strides = array<i32>} : memref<40x128xi32, #tpu.memory_space<vmem>>, vector<16xi32>,
      %parallel_loop3A_140 = tpu.vector_load_idx %arg6[%parallel_loop3A_139] : memref<100000xf32, #tpu.memory_space<vmem>>[vector<16xi32>], vector<16xf32>,
      %parallel_loop3A_141 = arith.index_cast %parallel_loop3A_101 : i32 to index
      %parallel_loop3A_142 = arith.constant 80 : index
      %parallel_loop3A_143 = tpu.vector_load %arg10[%parallel_loop3A_141, %parallel_loop3A_142] {strides = array<i32>} : memref<40x128xf32, #tpu.memory_space<vmem>>, vector<16xf32>,
      tpu.vector_store %arg10[%parallel_loop3A_141, %parallel_loop3A_142], %parallel_loop3A_140 {strides = array<i32>} : memref<40x128xf32, #tpu.memory_space<vmem>>, vector<16xf32>,
      %parallel_loop3A_144 = arith.index_cast %parallel_loop3A_101 : i32 to index
      %parallel_loop3A_145 = arith.constant 96 : index
      %parallel_loop3A_146 = tpu.vector_load %arg8[%parallel_loop3A_144, %parallel_loop3A_145] {strides = array<i32>} : memref<40x128xi32, #tpu.memory_space<vmem>>, vector<16xi32>,
      %parallel_loop3A_147 = tpu.vector_load_idx %arg6[%parallel_loop3A_146] : memref<100000xf32, #tpu.memory_space<vmem>>[vector<16xi32>], vector<16xf32>,
      %parallel_loop3A_148 = arith.index_cast %parallel_loop3A_101 : i32 to index
      %parallel_loop3A_149 = arith.constant 96 : index
      %parallel_loop3A_150 = tpu.vector_load %arg10[%parallel_loop3A_148, %parallel_loop3A_149] {strides = array<i32>} : memref<40x128xf32, #tpu.memory_space<vmem>>, vector<16xf32>,
      tpu.vector_store %arg10[%parallel_loop3A_148, %parallel_loop3A_149], %parallel_loop3A_147 {strides = array<i32>} : memref<40x128xf32, #tpu.memory_space<vmem>>, vector<16xf32>,
      %parallel_loop3A_151 = arith.index_cast %parallel_loop3A_101 : i32 to index
      %parallel_loop3A_152 = arith.constant 112 : index
      %parallel_loop3A_153 = tpu.vector_load %arg8[%parallel_loop3A_151, %parallel_loop3A_152] {strides = array<i32>} : memref<40x128xi32, #tpu.memory_space<vmem>>, vector<16xi32>,
      %parallel_loop3A_154 = tpu.vector_load_idx %arg6[%parallel_loop3A_153] : memref<100000xf32, #tpu.memory_space<vmem>>[vector<16xi32>], vector<16xf32>,
      %parallel_loop3A_155 = arith.index_cast %parallel_loop3A_101 : i32 to index
      %parallel_loop3A_156 = arith.constant 112 : index
      %parallel_loop3A_157 = tpu.vector_load %arg10[%parallel_loop3A_155, %parallel_loop3A_156] {strides = array<i32>} : memref<40x128xf32, #tpu.memory_space<vmem>>, vector<16xf32>,
      tpu.vector_store %arg10[%parallel_loop3A_155, %parallel_loop3A_156], %parallel_loop3A_154 {strides = array<i32>} : memref<40x128xf32, #tpu.memory_space<vmem>>, vector<16xf32>,
    } {sc.loop_unroll_factor = 4 : i64, sc.parallel_access}
    %dma_start3A_74 = arith.constant 120 : i32
    %dma_start3A_75 = tpu.memref_slice %arg4[%dma_start3A_74, %mul3A_2] : memref<200x4096xf32, #tpu.memory_space<hbm>> -> memref<40x128xf32, #tpu.memory_space<hbm>>
    %dma_start3A_76 = arith.constant 120 : i32
    %dma_start3A_77 = tpu.memref_slice %arg4[%dma_start3A_76, %mul3A_2] : memref<200x4096xf32, #tpu.memory_space<hbm>> -> memref<40x128xf32, #tpu.memory_space<hbm>>
    tpu.enqueue_dma source(%arg10 : memref<40x128xf32, #tpu.memory_space<vmem>>) target(%dma_start3A_77 : memref<40x128xf32, #tpu.memory_space<hbm>>) target_semaphore(%arg15 : memref<!tpu.dma_semaphore, #tpu.memory_space<semaphore_mem>>)
    %dma_wait3A_78 = arith.constant 160 : i32
    %dma_wait3A_79 = tpu.memref_slice %arg2[%dma_wait3A_78, %mul3A_2] : memref<200x4096xi32, #tpu.memory_space<hbm>> -> memref<40x128xi32, #tpu.memory_space<hbm>>
    %dma_wait3A_80 = arith.constant 160 : i32
    %dma_wait3A_81 = tpu.memref_slice %arg2[%dma_wait3A_80, %mul3A_2] : memref<200x4096xi32, #tpu.memory_space<hbm>> -> memref<40x128xi32, #tpu.memory_space<hbm>>
    tpu.wait_dma2 semaphore(%arg12 : memref<!tpu.dma_semaphore, #tpu.memory_space<semaphore_mem>>) src(%dma_wait3A_81 : memref<40x128xi32, #tpu.memory_space<hbm>>) dst(%arg7 : memref<40x128xi32, #tpu.memory_space<vmem>>)
    %dma_wait3A_82 = arith.constant 80 : i32
    %dma_wait3A_83 = tpu.memref_slice %arg4[%dma_wait3A_82, %mul3A_2] : memref<200x4096xf32, #tpu.memory_space<hbm>> -> memref<40x128xf32, #tpu.memory_space<hbm>>
    %dma_wait3A_84 = arith.constant 80 : i32
    %dma_wait3A_85 = tpu.memref_slice %arg4[%dma_wait3A_84, %mul3A_2] : memref<200x4096xf32, #tpu.memory_space<hbm>> -> memref<40x128xf32, #tpu.memory_space<hbm>>
    tpu.wait_dma2 semaphore(%arg14 : memref<!tpu.dma_semaphore, #tpu.memory_space<semaphore_mem>>) src(%arg9 : memref<40x128xf32, #tpu.memory_space<vmem>>) dst(%dma_wait3A_85 : memref<40x128xf32, #tpu.memory_space<hbm>>)
    %parallel_loop3A_86 = arith.constant 0 : i32
    %parallel_loop3A_87 = arith.constant 40 : i32
    %parallel_loop3A_88 = arith.constant 1 : i32
    scf.for %parallel_loop3A_101 = %parallel_loop3A_86 to %parallel_loop3A_87 step %parallel_loop3A_88  : i32 {
      %parallel_loop3A_102 = arith.index_cast %parallel_loop3A_101 : i32 to index
      %parallel_loop3A_103 = arith.constant 0 : index
      %parallel_loop3A_104 = tpu.vector_load %arg7[%parallel_loop3A_102, %parallel_loop3A_103] {strides = array<i32>} : memref<40x128xi32, #tpu.memory_space<vmem>>, vector<16xi32>,
      %parallel_loop3A_105 = tpu.vector_load_idx %arg6[%parallel_loop3A_104] : memref<100000xf32, #tpu.memory_space<vmem>>[vector<16xi32>], vector<16xf32>,
      %parallel_loop3A_106 = arith.index_cast %parallel_loop3A_101 : i32 to index
      %parallel_loop3A_107 = arith.constant 0 : index
      %parallel_loop3A_108 = tpu.vector_load %arg9[%parallel_loop3A_106, %parallel_loop3A_107] {strides = array<i32>} : memref<40x128xf32, #tpu.memory_space<vmem>>, vector<16xf32>,
      tpu.vector_store %arg9[%parallel_loop3A_106, %parallel_loop3A_107], %parallel_loop3A_105 {strides = array<i32>} : memref<40x128xf32, #tpu.memory_space<vmem>>, vector<16xf32>,
      %parallel_loop3A_109 = arith.index_cast %parallel_loop3A_101 : i32 to index
      %parallel_loop3A_110 = arith.constant 16 : index
      %parallel_loop3A_111 = tpu.vector_load %arg7[%parallel_loop3A_109, %parallel_loop3A_110] {strides = array<i32>} : memref<40x128xi32, #tpu.memory_space<vmem>>, vector<16xi32>,
      %parallel_loop3A_112 = tpu.vector_load_idx %arg6[%parallel_loop3A_111] : memref<100000xf32, #tpu.memory_space<vmem>>[vector<16xi32>], vector<16xf32>,
      %parallel_loop3A_113 = arith.index_cast %parallel_loop3A_101 : i32 to index
      %parallel_loop3A_114 = arith.constant 16 : index
      %parallel_loop3A_115 = tpu.vector_load %arg9[%parallel_loop3A_113, %parallel_loop3A_114] {strides = array<i32>} : memref<40x128xf32, #tpu.memory_space<vmem>>, vector<16xf32>,
      tpu.vector_store %arg9[%parallel_loop3A_113, %parallel_loop3A_114], %parallel_loop3A_112 {strides = array<i32>} : memref<40x128xf32, #tpu.memory_space<vmem>>, vector<16xf32>,
      %parallel_loop3A_116 = arith.index_cast %parallel_loop3A_101 : i32 to index
      %parallel_loop3A_117 = arith.constant 32 : index
      %parallel_loop3A_118 = tpu.vector_load %arg7[%parallel_loop3A_116, %parallel_loop3A_117] {strides = array<i32>} : memref<40x128xi32, #tpu.memory_space<vmem>>, vector<16xi32>,
      %parallel_loop3A_119 = tpu.vector_load_idx %arg6[%parallel_loop3A_118] : memref<100000xf32, #tpu.memory_space<vmem>>[vector<16xi32>], vector<16xf32>,
      %parallel_loop3A_120 = arith.index_cast %parallel_loop3A_101 : i32 to index
      %parallel_loop3A_121 = arith.constant 32 : index
      %parallel_loop3A_122 = tpu.vector_load %arg9[%parallel_loop3A_120, %parallel_loop3A_121] {strides = array<i32>} : memref<40x128xf32, #tpu.memory_space<vmem>>, vector<16xf32>,
      tpu.vector_store %arg9[%parallel_loop3A_120, %parallel_loop3A_121], %parallel_loop3A_119 {strides = array<i32>} : memref<40x128xf32, #tpu.memory_space<vmem>>, vector<16xf32>,
      %parallel_loop3A_123 = arith.index_cast %parallel_loop3A_101 : i32 to index
      %parallel_loop3A_124 = arith.constant 48 : index
      %parallel_loop3A_125 = tpu.vector_load %arg7[%parallel_loop3A_123, %parallel_loop3A_124] {strides = array<i32>} : memref<40x128xi32, #tpu.memory_space<vmem>>, vector<16xi32>,
      %parallel_loop3A_126 = tpu.vector_load_idx %arg6[%parallel_loop3A_125] : memref<100000xf32, #tpu.memory_space<vmem>>[vector<16xi32>], vector<16xf32>,
      %parallel_loop3A_127 = arith.index_cast %parallel_loop3A_101 : i32 to index
      %parallel_loop3A_128 = arith.constant 48 : index
      %parallel_loop3A_129 = tpu.vector_load %arg9[%parallel_loop3A_127, %parallel_loop3A_128] {strides = array<i32>} : memref<40x128xf32, #tpu.memory_space<vmem>>, vector<16xf32>,
      tpu.vector_store %arg9[%parallel_loop3A_127, %parallel_loop3A_128], %parallel_loop3A_126 {strides = array<i32>} : memref<40x128xf32, #tpu.memory_space<vmem>>, vector<16xf32>,
      %parallel_loop3A_130 = arith.index_cast %parallel_loop3A_101 : i32 to index
      %parallel_loop3A_131 = arith.constant 64 : index
      %parallel_loop3A_132 = tpu.vector_load %arg7[%parallel_loop3A_130, %parallel_loop3A_131] {strides = array<i32>} : memref<40x128xi32, #tpu.memory_space<vmem>>, vector<16xi32>,
      %parallel_loop3A_133 = tpu.vector_load_idx %arg6[%parallel_loop3A_132] : memref<100000xf32, #tpu.memory_space<vmem>>[vector<16xi32>], vector<16xf32>,
      %parallel_loop3A_134 = arith.index_cast %parallel_loop3A_101 : i32 to index
      %parallel_loop3A_135 = arith.constant 64 : index
      %parallel_loop3A_136 = tpu.vector_load %arg9[%parallel_loop3A_134, %parallel_loop3A_135] {strides = array<i32>} : memref<40x128xf32, #tpu.memory_space<vmem>>, vector<16xf32>,
      tpu.vector_store %arg9[%parallel_loop3A_134, %parallel_loop3A_135], %parallel_loop3A_133 {strides = array<i32>} : memref<40x128xf32, #tpu.memory_space<vmem>>, vector<16xf32>,
      %parallel_loop3A_137 = arith.index_cast %parallel_loop3A_101 : i32 to index
      %parallel_loop3A_138 = arith.constant 80 : index
      %parallel_loop3A_139 = tpu.vector_load %arg7[%parallel_loop3A_137, %parallel_loop3A_138] {strides = array<i32>} : memref<40x128xi32, #tpu.memory_space<vmem>>, vector<16xi32>,
      %parallel_loop3A_140 = tpu.vector_load_idx %arg6[%parallel_loop3A_139] : memref<100000xf32, #tpu.memory_space<vmem>>[vector<16xi32>], vector<16xf32>,
      %parallel_loop3A_141 = arith.index_cast %parallel_loop3A_101 : i32 to index
      %parallel_loop3A_142 = arith.constant 80 : index
      %parallel_loop3A_143 = tpu.vector_load %arg9[%parallel_loop3A_141, %parallel_loop3A_142] {strides = array<i32>} : memref<40x128xf32, #tpu.memory_space<vmem>>, vector<16xf32>,
      tpu.vector_store %arg9[%parallel_loop3A_141, %parallel_loop3A_142], %parallel_loop3A_140 {strides = array<i32>} : memref<40x128xf32, #tpu.memory_space<vmem>>, vector<16xf32>,
      %parallel_loop3A_144 = arith.index_cast %parallel_loop3A_101 : i32 to index
      %parallel_loop3A_145 = arith.constant 96 : index
      %parallel_loop3A_146 = tpu.vector_load %arg7[%parallel_loop3A_144, %parallel_loop3A_145] {strides = array<i32>} : memref<40x128xi32, #tpu.memory_space<vmem>>, vector<16xi32>,
      %parallel_loop3A_147 = tpu.vector_load_idx %arg6[%parallel_loop3A_146] : memref<100000xf32, #tpu.memory_space<vmem>>[vector<16xi32>], vector<16xf32>,
      %parallel_loop3A_148 = arith.index_cast %parallel_loop3A_101 : i32 to index
      %parallel_loop3A_149 = arith.constant 96 : index
      %parallel_loop3A_150 = tpu.vector_load %arg9[%parallel_loop3A_148, %parallel_loop3A_149] {strides = array<i32>} : memref<40x128xf32, #tpu.memory_space<vmem>>, vector<16xf32>,
      tpu.vector_store %arg9[%parallel_loop3A_148, %parallel_loop3A_149], %parallel_loop3A_147 {strides = array<i32>} : memref<40x128xf32, #tpu.memory_space<vmem>>, vector<16xf32>,
      %parallel_loop3A_151 = arith.index_cast %parallel_loop3A_101 : i32 to index
      %parallel_loop3A_152 = arith.constant 112 : index
      %parallel_loop3A_153 = tpu.vector_load %arg7[%parallel_loop3A_151, %parallel_loop3A_152] {strides = array<i32>} : memref<40x128xi32, #tpu.memory_space<vmem>>, vector<16xi32>,
      %parallel_loop3A_154 = tpu.vector_load_idx %arg6[%parallel_loop3A_153] : memref<100000xf32, #tpu.memory_space<vmem>>[vector<16xi32>], vector<16xf32>,
      %parallel_loop3A_155 = arith.index_cast %parallel_loop3A_101 : i32 to index
      %parallel_loop3A_156 = arith.constant 112 : index
      %parallel_loop3A_157 = tpu.vector_load %arg9[%parallel_loop3A_155, %parallel_loop3A_156] {strides = array<i32>} : memref<40x128xf32, #tpu.memory_space<vmem>>, vector<16xf32>,
      tpu.vector_store %arg9[%parallel_loop3A_155, %parallel_loop3A_156], %parallel_loop3A_154 {strides = array<i32>} : memref<40x128xf32, #tpu.memory_space<vmem>>, vector<16xf32>,
    } {sc.loop_unroll_factor = 4 : i64, sc.parallel_access}
    %dma_start3A_89 = arith.constant 160 : i32
    %dma_start3A_90 = tpu.memref_slice %arg4[%dma_start3A_89, %mul3A_2] : memref<200x4096xf32, #tpu.memory_space<hbm>> -> memref<40x128xf32, #tpu.memory_space<hbm>>
    %dma_start3A_91 = arith.constant 160 : i32
    %dma_start3A_92 = tpu.memref_slice %arg4[%dma_start3A_91, %mul3A_2] : memref<200x4096xf32, #tpu.memory_space<hbm>> -> memref<40x128xf32, #tpu.memory_space<hbm>>
    tpu.enqueue_dma source(%arg9 : memref<40x128xf32, #tpu.memory_space<vmem>>) target(%dma_start3A_92 : memref<40x128xf32, #tpu.memory_space<hbm>>) target_semaphore(%arg14 : memref<!tpu.dma_semaphore, #tpu.memory_space<semaphore_mem>>)
    %dma_wait3A_93 = arith.constant 120 : i32
    %dma_wait3A_94 = tpu.memref_slice %arg4[%dma_wait3A_93, %mul3A_2] : memref<200x4096xf32, #tpu.memory_space<hbm>> -> memref<40x128xf32, #tpu.memory_space<hbm>>
    %dma_wait3A_95 = arith.constant 120 : i32
    %dma_wait3A_96 = tpu.memref_slice %arg4[%dma_wait3A_95, %mul3A_2] : memref<200x4096xf32, #tpu.memory_space<hbm>> -> memref<40x128xf32, #tpu.memory_space<hbm>>
    tpu.wait_dma2 semaphore(%arg15 : memref<!tpu.dma_semaphore, #tpu.memory_space<semaphore_mem>>) src(%arg10 : memref<40x128xf32, #tpu.memory_space<vmem>>) dst(%dma_wait3A_96 : memref<40x128xf32, #tpu.memory_space<hbm>>)
    %dma_wait3A_97 = arith.constant 160 : i32
    %dma_wait3A_98 = tpu.memref_slice %arg4[%dma_wait3A_97, %mul3A_2] : memref<200x4096xf32, #tpu.memory_space<hbm>> -> memref<40x128xf32, #tpu.memory_space<hbm>>
    %dma_wait3A_99 = arith.constant 160 : i32
    %dma_wait3A_100 = tpu.memref_slice %arg4[%dma_wait3A_99, %mul3A_2] : memref<200x4096xf32, #tpu.memory_space<hbm>> -> memref<40x128xf32, #tpu.memory_space<hbm>>
    tpu.wait_dma2 semaphore(%arg14 : memref<!tpu.dma_semaphore, #tpu.memory_space<semaphore_mem>>) src(%arg9 : memref<40x128xf32, #tpu.memory_space<vmem>>) dst(%dma_wait3A_100 : memref<40x128xf32, #tpu.memory_space<hbm>>)
    return
  }
}

</mosaic_0001>

<sc_bundles>
// kernel: kernel.3.cloned.1.call-start
scs
__scs_entry_jumppad:
0x0: {  	(pc) =	sbr.rel $0x88, $3  }
0x1: {  	(tag) =	ssettag $0x0;
	lr =	simm.s32 $0x1  }
0x2: {  	[smem:$0x3F9F] =	sst lr;
	_ =	strace $0xD0000000  }
0x3: {  	_ = 	snop  }
0x4: {  	_ = 	snop  }
0x5: {  	_ = 	snop  }
0x6: {  	_ = 	snop  }
0x7: {  	_ = 	snop  }
__scs_overlays_trampoline_lowered:
0x8: {  	[smem:$0x3FAE] =	sst s0  }
0x9: {  	[smem:$0x3FAF] =	sst s1  }
0xa: {  	[smem:$0x3FB0] =	sst s2  }
0xb: {  	[smem:$0x3FB1] =	sst s3  }
0xc: {  	[smem:$0x3FB2] =	sst s4  }
0xd: {  	[smem:$0x3FB3] =	sst s5  }
0xe: {  	[smem:$0x3FB4] =	sst s6  }
0xf: {  	[smem:$0x3FB5] =	sst s7  }
0x10: {  	[smem:$0x3FB6] =	sst s8  }
0x11: {  	[smem:$0x3FB7] =	sst s9;
	s0 =	simm.s32 @!p0 $0x0  }
0x12: {  	s1 =	sld [smem:$0x3F9D];
	s0 =	simm.s32 @p0 $0x1  }
0x13: {  	[smem:$0x3FB8] =	sst s0;
	s0 =	simm.s32 @!p1 $0x0  }
0x14: {  	s2 =	sld [smem:$0x3F9C];
	s0 =	simm.s32 @p1 $0x1  }
0x15: {  	[smem:$0x3FB9] =	sst s0;
	s0 =	simm.s32 @!p2 $0x0  }
0x16: {  	s3 =	sld [smem:$0x3FDB];
	s0 =	simm.s32 @p2 $0x1  }
0x17: {  	s4 =	simm.s32 $0x1BF5;
	[smem:$0x3FBB] =	sst s0  }
0x18: {  	s0 =	sld [smem:$0x3F9E];
	_ =	swait.ge [sflag:s4], $0x0  }
0x19: {  	s7 =	sld [smem:$0x3F9F]  }
0x1a: {  	s8 =	sadd.s32 $0xFFFFE003, lr  }
0x1b: {  	s9 =	sadd.s32 $0xFFFFFEF7, lr;
	s5 =	simm.s32 $0xFFFFFFFF;
	p2 =	slt.u32 s8, $0xFFFFF086  }
0x1c: {  	p1 =	slt.u32 s9, $0xF7A;
	s5 =	simm.s32 @!p2 $0x0  }
0x1d: {  	s5 =	simm.s32 @p1 $0x1;
	p0 =	seq.s32 s7, s2  }
0x1e: {  	s7 =	smul.u32 @!p0 $0xF7A, s2;
	p2 =	seq.s32 @!p0 s5, $0x0  }
0x1f: {  	s9 =	smul.u32 $0xF7A, s1;
	s8 =	simm.s32 @!p0 $0x1BF5;
	p2 =	por !p2, p0  }
0x20: {  	[sflag:s8] =	ssyncset.s32 @!p0 $0xFFFFF086;
	s6 =	sadd.s32 @!p0 s3, s7;
	s7 =	simm.s32 @!p0 $0x108  }
0x21: {  	s3 =	sadd.s32 s3, s9;
	s6 =	sadd.s32 @!p0 $0x88, s6;
	s7 =	simm.s32 @p2 $0x1082  }
0x22: {  	[simem:s7], [sflag:s8] =	dma.local @!p0 [hbm:s6], $0xF7A  }
0x23: {  	s9 =	sor.u32 $0xD0000000, s2;
	s6 =	simm.s32 $0x108;
	_ =	swait.ge @!p0 [sflag:s8], $0x0  }
0x24: {  	s3 =	sadd.s32 $0x88, s3;
	s6 =	simm.s32 @!p1 $0x1082;
	[sflag:s4] =	ssyncset.s32 $0xFFFFF086  }
0x25: {  	[simem:s6], [sflag:s4] =	dma.local [hbm:s3], $0xF7A  }
0x26: {  	[smem:$0x3F9F] =	sst s1;
	(tag) =	ssettag s2;
	_ =	strace s9  }
0x27: {  	s1 =	sld [smem:$0x3FAF]  }
0x28: {  	s2 =	sld [smem:$0x3FB0]  }
0x29: {  	s4 =	sld [smem:$0x3FB2]  }
0x2a: {  	p0 =	seq.s32 s5, $0x0;
	s5 =	sld [smem:$0x3FB3]  }
0x2b: {  	s6 =	sld [smem:$0x3FB4]  }
0x2c: {  	s7 =	sld [smem:$0x3FB5]  }
0x2d: {  	s3 =	simm.s32 $0x108;
	s8 =	sld [smem:$0x3FB6]  }
0x2e: {  	s3 =	simm.s32 @!p0 $0x1082;
	s9 =	sld [smem:$0x3FB7]  }
0x2f: {  	lr =	sadd.s32 s0, s3;
	s0 =	sld [smem:$0x3FAE]  }
0x30: {  	s3 =	sld [smem:$0x3FB1]  }
0x31: {  	[smem:$0x3FBA] =	sst s10  }
0x32: {  	s10 =	sld [smem:$0x3FB8];
	_ =	sdelay $0x3  }
0x33: {  	p0 =	seq.s32 s10, $0x1;
	s10 =	sld [smem:$0x3FBA];
	_ =	sdelay $0x3  }
0x34: {  	[smem:$0x3FBA] =	sst s10  }
0x35: {  	s10 =	sld [smem:$0x3FB9];
	_ =	sdelay $0x3  }
0x36: {  	p1 =	seq.s32 s10, $0x1;
	s10 =	sld [smem:$0x3FBA];
	_ =	sdelay $0x3  }
0x37: {  	[smem:$0x3FBA] =	sst s10  }
0x38: {  	s10 =	sld [smem:$0x3FBB]  }
0x39: {  	_ = 	snop;
	(pc) =	sbr.ind lr, $3  }
0x3a: {  	_ = 	snop  }
0x3b: {  	_ = 	snop  }
0x3c: {  	p2 =	seq.s32 s10, $0x1;
	s10 =	sld [smem:$0x3FBA]  }
0x3d: {  	_ =	shalt  }
0x3e: {  	_ =	shalt  }
0x3f: {  	_ =	shalt  }
0x40: {  	_ =	shalt  }
0x41: {  	_ =	shalt  }
0x42: {  	_ =	shalt  }
0x43: {  	_ =	shalt  }
0x44: {  	_ =	shalt  }
0x45: {  	_ =	shalt  }
0x46: {  	_ =	shalt  }
0x47: {  	_ =	shalt  }
0x48: {  	_ =	shalt  }
0x49: {  	_ =	shalt  }
0x4a: {  	_ =	shalt  }
0x4b: {  	_ =	shalt  }
0x4c: {  	_ =	shalt  }
0x4d: {  	_ =	shalt  }
0x4e: {  	_ =	shalt  }
0x4f: {  	_ =	shalt  }
0x50: {  	_ =	shalt  }
0x51: {  	_ =	shalt  }
0x52: {  	_ =	shalt  }
0x53: {  	_ =	shalt  }
0x54: {  	_ =	shalt  }
0x55: {  	_ =	shalt  }
0x56: {  	_ =	shalt  }
0x57: {  	_ =	shalt  }
0x58: {  	_ =	shalt  }
0x59: {  	_ =	shalt  }
0x5a: {  	_ =	shalt  }
0x5b: {  	_ =	shalt  }
0x5c: {  	_ =	shalt  }
0x5d: {  	_ =	shalt  }
0x5e: {  	_ =	shalt  }
0x5f: {  	_ =	shalt  }
0x60: {  	_ =	shalt  }
0x61: {  	_ =	shalt  }
0x62: {  	_ =	shalt  }
0x63: {  	_ =	shalt  }
0x64: {  	_ =	shalt  }
0x65: {  	_ =	shalt  }
0x66: {  	_ =	shalt  }
0x67: {  	_ =	shalt  }
0x68: {  	_ =	shalt  }
0x69: {  	_ =	shalt  }
0x6a: {  	_ =	shalt  }
0x6b: {  	_ =	shalt  }
0x6c: {  	_ =	shalt  }
0x6d: {  	_ =	shalt  }
0x6e: {  	_ =	shalt  }
0x6f: {  	_ =	shalt  }
0x70: {  	_ =	shalt  }
0x71: {  	_ =	shalt  }
0x72: {  	_ =	shalt  }
0x73: {  	_ =	shalt  }
0x74: {  	_ =	shalt  }
0x75: {  	_ =	shalt  }
0x76: {  	_ =	shalt  }
0x77: {  	_ =	shalt  }
0x78: {  	_ =	shalt  }
0x79: {  	_ =	shalt  }
0x7a: {  	_ =	shalt  }
0x7b: {  	_ =	shalt  }
0x7c: {  	_ =	shalt  }
0x7d: {  	_ =	shalt  }
0x7e: {  	_ =	shalt  }
0x7f: {  	_ =	shalt  }
0x80: {  	_ =	shalt  }
0x81: {  	_ =	shalt  }
0x82: {  	_ =	shalt  }
0x83: {  	_ =	shalt  }
0x84: {  	_ =	shalt  }
0x85: {  	_ =	shalt  }
0x86: {  	_ =	shalt  }
0x87: {  	_ =	shalt  }
.Lfunc_end0:
.L_simem_size_0:
called_computation_lowered:
.L_overlay_start_0:
0x88: {  	s2 =	sld [smem:$0x3FD9]  }
0x89: {  	s3 =	sld [smem:$0x3FFE];
	_ =	sdelay $0x1  }
0x8a: {  	s1 =	srdreg.scid  }
0x8b: {  	s0 =	sand.u32 $0x1, s1  }
0x8c: {  	s18 =	sshll.u32 s0, $0xA;
	s2 =	sadd.s32 s3, s2  }
0x8d: {  	s2 =	sadd.s32 s2, s18  }
0x8e: {  	[smem:$0x3FC6] =	sst s2  }
0x8f: {  	_ = 	snop  }
0x90: {  	s2 =	sld [smem:$0x3FC9]  }
0x91: {  	s19 =	sld [smem:$0x3FC8]  }
0x92: {  	s4 =	sld [smem:$0x3FD0];
	(tm) =	ssettm $0x1  }
0x93: {  	s5 =	sld [smem:$0x3FFB];
	_ =	sdelay $0x3  }
0x94: {  	_ =	strace s5  }
0x95: {  	s5 =	sld [smem:$0x3FFC];
	_ =	sdelay $0x3  }
0x96: {  	_ =	strace s5  }
0x97: {  	s5 =	sld [smem:$0x3FFD];
	_ =	sdelay $0x3  }
0x98: {  	_ =	strace s5  }
0x99: {  	_ =	strace $0x8FFFFFFF  }
0x9a: {  	s20 =	sld [smem:$0x3FDB];
	_ =	sdelay $0x1  }
0x9b: {  	s6 =	simm.s32 $_scs_section_size  }
0x9c: {  	s7 =	simm.s32 $_size__tile_overlayer_lowered;
	s8 =	simm.s32 $_tile_overlayer_lowered  }
0x9d: {  	s23 =	simm.s32 $0x1BFF;
	s22 =	sshll.u32 s8, $0x1;
	s5 =	sadd.s32 s6, s20  }
0x9e: {  	s9 =	simm.s32 $0x0;
	s21 =	sshll.u32 s7, $0x1;
	s7 =	sadd.s32 s22, s5  }
0x9f: {  	[timem:s9], [sflag:s23] =	dma.local [hbm:s7], s21  }
0xa0: {  	_ =	swait.ge [sflag:s23], s21  }
0xa1: {  	s6 =	ssub.s32 $0x0, s21;
	[sflag:s23] =	ssyncset.done $0x0  }
0xa2: {  	[sflag:s23] =	ssyncadd.s32 s6;
	_ =	sdelay $0x1  }
0xa3: {  	s24 =	simm.s32 $0x1B8B  }
0xa4: {  	_ =	swait.ge [sflag:s24], $0x1  }
0xa5: {  	[sflag:s24] =	ssyncset.done $0x0  }
0xa6: {  	s25 =	simm.s32 $0x1B8E;
	[sflag:s24] =	ssyncadd.s32 $0xFFFFFFFF  }
0xa7: {  	s26 =	simm.s32 $execute0_lowered;
	[smem:$0x3FD2] =	sst s25  }
0xa8: {  	s6 =	sshll.u32 s26, $0x1;
	_ =	strace $0x80000046;
	[dreg:$0x1] =	wrdreg $0xFFFFFFFF  }
0xa9: {  	s28 =	simm.s32 $_size_execute0_lowered;
	s5 =	sadd.s32 s5, s6;
	[dreg:$0x0] =	wrdreg $0x0  }
0xaa: {  	s6 =	sshll.u32 s28, $0x1;
	[dreg:$0x2] =	wrdreg s5  }
0xab: {  	[dreg:$0x3] =	wrdreg s6  }
0xac: {  	[dreg:$0x4] =	wrdreg $0xC0  }
0xad: {  	_ =	task [dreg:s9], $0x5FFFF  }
0xae: {  	[dreg:$0x1] =	wrdreg $0xFFFFFFFF  }
0xaf: {  	[dreg:$0x0] =	wrdreg $0x60  }
0xb0: {  	[dreg:$0x2] =	wrdreg s2  }
0xb1: {  	[dreg:$0x3] =	wrdreg s19  }
0xb2: {  	[dreg:$0x4] =	wrdreg s4  }
0xb3: {  	[dreg:$0x5] =	wrdreg $0x0  }
0xb4: {  	[dreg:$0x6] =	wrdreg $0x9  }
0xb5: {  	_ =	task.clear_ibuf [dreg:s9], $0x7FFFF;
	_ =	strace $0x90000046  }
0xb6: {  	s29 =	simm.s32 $0x9;
	_ =	strace $0x80000048  }
0xb7: {  	_ =	swait.ge [sflag:s29], $0x1  }
0xb8: {  	[sflag:s29] =	ssyncadd.s32 $0xFFFFFFFF  }
0xb9: {  	_ =	strace $0x90000048  }
0xba: {  	_ =	sfence  }
0xbb: {  	s30 =	sld [smem:$0x0];
	_ =	sdelay $0x2  }
0xbc: {  	s31 =	sshll.u32 s1, $0xD;
	s1 =	sshrl.u32 s1, $0x2  }
0xbd: {  	s3 =	sand.u32 $0x4000, s31;
	s1 =	sadd.s32 s1, s30  }
0xbe: {  	s0 =	sor.u32 s3, s0;
	s1 =	sshll.u32 s1, $0x11  }
0xbf: {  	s0 =	sor.u32 s1, s0  }
0xc0: {  	s0 =	sadd.s32 $0x8F2B, s0  }
0xc1: {  	[sflag:s0] =	ssyncadd.remote.s32 $0x1  }
0xc2: {  	_ =	sfence.sel $0xFFFF  }
0xc3: {  	[dreg:$0x0] =	wrdreg $0xFFFFFFFF;
	(pc) =	sbr.abs _section_cstart, $3  }
0xc4: {  	[dreg:$0x1] =	wrdreg $0xFFFFFFFF  }
0xc5: {  	_ =	task.clear_ibuf [dreg:s9], $0x2FFFF;
	_ =	strace $0x9FFFFFFF  }
0xc6: {  	(tm) =	ssettm $0x7FFFFFFF  }
0xc7: {  	_ =	shalt  }
tec
execute0_lowered:
.L_overlay_start_1:
0x0: {  	(tag) =	ssettag $0x1  }
0x1: {  	s0 =	rddreg [dreg:$0x0]  }
0x2: {  	s1 =	rddreg [dreg:$0x1]  }
0x3: {  	s2 =	rddreg [dreg:$0x2]  }
0x4: {  	s10 =	rddreg [dreg:$0x3];
	s3 =	simm.s32 $0x0;
	s4 =	srdreg.scid  }
0x5: {  	s20 =	stileid.u32;
	s21 =	simm.s32 $0x8000;
	s22 =	simm.s32 $0x19F70  }
0x6: {  	s24 =	simm.s32 $0x1870;
	s28 =	simm.s32 $0x1C770;
	s29 =	simm.s32 $0x3  }
0x7: {  	s31 =	simm.s32 $0x4;
	[smem:$0x7FF] =	sst s3;
	s4 =	sand.u32 $0x1, s4  }
0x8: {  	s6 =	sshll.u32 s20, $0x8;
	s8 =	smul.u32 $0x1870, s20;
	s9 =	sadd.s32 $0x2DD2, s1  }
0x9: {  	p0 =	seq.s32 s20, $0xF;
	s20 =	simm.s32 $0x400;
	s5 =	ssub.s32 $0x2, s4  }
0xa: {  	s4 =	sshll.u32 s4, $0x7;
	_ =	strace $0x80000047;
	s7 =	sshrl.u32 s5, $0x1  }
0xb: {  	s4 =	sor.u32 s4, s6;
	s26 =	sshrl.u32 s8, $0x3;
	s5 =	ssub.s32 s5, s7  }
0xc: {  	s13 =	sor.u32 $0x5000, s4;
	s6 =	sadd.s32 s0, s4;
	s7 =	sadd.s32 s1, s26  }
0xd: {  	s30 =	sor.u32 $0xA000, s4;
	s11 =	sadd.s32 s2, s4;
	s17 =	sor.u32 $0xF000, s4  }
0xe: {  	s4 =	sor.u32 $0x14000, s4;
	s26 =	simm.s32 $0x2;
	[dreg:$0x5] =	wrdreg s6  }
0xf: {  	s25 =	sadd.s32 s0, s13;
	s6 =	sadd.s32 $0x1870, s8;
	s8 =	sadd.s32 s8, s10  }
0x10: {  	s10 =	sadd.s32 $0x16E90, s10;
	s12 =	sadd.s32 s0, s30;
	s13 =	sadd.s32 s2, s13  }
0x11: {  	s14 =	sadd.s32 s0, s17;
	s15 =	sadd.s32 s2, s30;
	s16 =	sadd.s32 s0, s4  }
0x12: {  	s17 =	sadd.s32 s2, s17;
	s18 =	sadd.s32 s2, s4;
	s19 =	smax.u32 s5, $0x1  }
0x13: {  	s0 =	simm.s32 $0x5;
	[dreg:$0x6] =	wrdreg s25;
	s25 =	simm.s32 $0x1  }
.LBB2_1:
0x14: {  	s1 =	rddreg [dreg:$0x5]  }
0x15: {  	[tilespmem:s22], [sflag:$0x2] =	stream.strided.gather [hbm4b:s1+s20], $0x1400, s21, s20, $0x38;
	[tilespmem:$0x1EF70] =	vst v63  }
0x16: {  	s5 =	rddreg [dreg:$0x6];
	s2 =	simm.s32 $0x1B370  }
0x17: {  	[tilespmem:s2], [sflag:$0x3] =	stream.strided.gather [hbm4b:s5+s20], $0x1400, s21, s20, $0x38;
	[tilespmem:$0x1EF70] =	vst v63  }
0x18: {  	s1 =	simm.s32 @p0 $0x0;
	s2 =	simm.s32 @p0 $0x18700  }
0x19: {  	[tilespmem:s2], [sflag:$0x6] =	stream.linear.gather @p0 [hbm4b:s9+s1], $0x1810, $0x38;
	[tilespmem:$0x1EF70] =	vst v63  }
0x1a: {  	s1 =	simm.s32 @p0 $0x6  }
0x1b: {  	_ =	swait.ge @p0 [sflag:s1], $0x1810  }
0x1c: {  	[sflag:s1] =	ssyncset.done @p0 $0x0  }
0x1d: {  	[sflag:s1] =	ssyncadd.s32 @p0 $0xFFFFE7F0  }
0x1e: {  	[spmem:s10] =	stream.linear.scatter @p0 [tilespmem:s2], [sflag:$0x6], $0x1810, $0x38;
	[tilespmem:$0x1EF70] =	vst v63  }
0x1f: {  	_ =	swait.ge @p0 [sflag:s1], $0x1810  }
0x20: {  	[sflag:s1] =	ssyncset.done @p0 $0x0  }
0x21: {  	[sflag:s1] =	ssyncadd.s32 @p0 $0xFFFFE7F0;
	s1 =	simm.s32 @!p0 $0x0  }
0x22: {  	[tilespmem:s6], [sflag:$0x6] =	stream.linear.gather @!p0 [hbm4b:s7+s1], $0x1870, $0x38;
	[tilespmem:$0x1EF70] =	vst v63  }
0x23: {  	s1 =	simm.s32 @!p0 $0x6  }
0x24: {  	_ =	swait.ge @!p0 [sflag:s1], $0x1870  }
0x25: {  	[sflag:s1] =	ssyncset.done @!p0 $0x0  }
0x26: {  	[sflag:s1] =	ssyncadd.s32 @!p0 $0xFFFFE790  }
0x27: {  	[spmem:s8] =	stream.linear.scatter @!p0 [tilespmem:s6], [sflag:$0x6], $0x1870, $0x38;
	[tilespmem:$0x1EF70] =	vst v63  }
0x28: {  	_ =	swait.ge @!p0 [sflag:s1], $0x1870  }
0x29: {  	[sflag:s1] =	ssyncset.done @!p0 $0x0  }
0x2a: {  	[sflag:s1] =	ssyncadd.s32 @!p0 $0xFFFFE790  }
0x2b: {  	[bflag:$0x0] =	sbarrier.arrive $0xFFFF  }
0x2c: {  	s23 =	rddreg [dreg:$0x3]  }
0x2d: {  	[tilespmem:s24], [sflag:$0x1] =	stream.linear.gather [spmem:s23], $0x18700, $0x38;
	[tilespmem:$0x1EF70] =	vst v63  }
0x2e: {  	_ =	swait.ge [sflag:s25], $0x18700  }
0x2f: {  	[sflag:s25] =	ssyncset.done $0x0  }
0x30: {  	[sflag:s25] =	ssyncadd.s32 $0xFFFE7900  }
0x31: {  	_ =	swait.ge [sflag:s26], $0x1400  }
0x32: {  	[sflag:s26] =	ssyncset.done $0x0  }
0x33: {  	s4 =	simm.s32 $0x1A070;
	[sflag:s26] =	ssyncadd.s32 $0xFFFFEC00  }
0x34: {  	v0 =	vld [tilespmem:s4+$0x80]  }
0x35: {  	v1 =	vld [tilespmem:s4+$0xFFFFFF80]  }
0x36: {  	v2 =	vld [tilespmem:s4+$0x0];
	_ =	sdelay $0x2  }
0x37: {  	v3 =	vld [tilespmem:s4+$0xFFFFFF00];
	_ =	sdelay $0x2  }
0x38: {  	v0 =	vld.idx.msk [tilespmem:v0+s24+$0x0], $0xffff  }
0x39: {  	v1 =	vld.idx.msk [tilespmem:v1+s24+$0x0], $0xffff  }
0x3a: {  	v2 =	vld.idx.msk [tilespmem:v2+s24+$0x0], $0xffff;
	_ =	sdelay $0x1  }
0x3b: {  	s2 =	simm.s32 $0x1C870  }
0x3c: {  	v3 =	vld.idx.msk [tilespmem:v3+s24+$0x0], $0xffff;
	[tilespmem:s2+$0x80] =	vst v0  }
0x3d: {  	[tilespmem:s2+$0xFFFFFF80] =	vst v1;
	v0 =	vld [tilespmem:s4+$0x90]  }
0x3e: {  	[tilespmem:s2+$0x0] =	vst v2;
	v1 =	vld [tilespmem:s4+$0xFFFFFF90]  }
0x3f: {  	v2 =	vld [tilespmem:s4+$0x10];
	_ =	sdelay $0x1  }
0x40: {  	[tilespmem:s2+$0xFFFFFF00] =	vst v3  }
0x41: {  	v3 =	vld [tilespmem:s4+$0xFFFFFF10];
	_ =	sdelay $0x2  }
0x42: {  	v0 =	vld.idx.msk [tilespmem:v0+s24+$0x0], $0xffff  }
0x43: {  	v1 =	vld.idx.msk [tilespmem:v1+s24+$0x0], $0xffff  }
0x44: {  	v2 =	vld.idx.msk [tilespmem:v2+s24+$0x0], $0xffff;
	_ =	sdelay $0x2  }
0x45: {  	v3 =	vld.idx.msk [tilespmem:v3+s24+$0x0], $0xffff;
	[tilespmem:s2+$0x90] =	vst v0  }
0x46: {  	[tilespmem:s2+$0xFFFFFF90] =	vst v1;
	v0 =	vld [tilespmem:s4+$0xA0]  }
0x47: {  	[tilespmem:s2+$0x10] =	vst v2;
	v1 =	vld [tilespmem:s4+$0xFFFFFFA0]  }
0x48: {  	v2 =	vld [tilespmem:s4+$0x20];
	_ =	sdelay $0x1  }
0x49: {  	[tilespmem:s2+$0xFFFFFF10] =	vst v3  }
0x4a: {  	v3 =	vld [tilespmem:s4+$0xFFFFFF20]  }
0x4b: {  	s1 =	simm.s32 $0x1A270  }
0x4c: {  	v4 =	vld [tilespmem:s1+$0x80]  }
0x4d: {  	v0 =	vld.idx.msk [tilespmem:v0+s24+$0x0], $0xffff  }
0x4e: {  	v1 =	vld.idx.msk [tilespmem:v1+s24+$0x0], $0xffff  }
0x4f: {  	v2 =	vld.idx.msk [tilespmem:v2+s24+$0x0], $0xffff;
	_ =	sdelay $0x1  }
0x50: {  	v5 =	vld [tilespmem:s1+$0xFFFFFF80]  }
0x51: {  	v3 =	vld.idx.msk [tilespmem:v3+s24+$0x0], $0xffff;
	[tilespmem:s2+$0xA0] =	vst v0  }
0x52: {  	[tilespmem:s2+$0xFFFFFFA0] =	vst v1;
	v0 =	vld [tilespmem:s4+$0xB0]  }
0x53: {  	[tilespmem:s2+$0x20] =	vst v2;
	v1 =	vld [tilespmem:s4+$0xFFFFFFB0]  }
0x54: {  	v2 =	vld [tilespmem:s4+$0x30];
	_ =	sdelay $0x1  }
0x55: {  	v4 =	vld.idx.msk [tilespmem:v4+s24+$0x0], $0xffff;
	[tilespmem:s2+$0xFFFFFF20] =	vst v3  }
0x56: {  	v3 =	vld [tilespmem:s4+$0xFFFFFF30]  }
0x57: {  	v5 =	vld.idx.msk [tilespmem:v5+s24+$0x0], $0xffff  }
0x58: {  	v6 =	vld [tilespmem:s1+$0x0]  }
0x59: {  	v0 =	vld.idx.msk [tilespmem:v0+s24+$0x0], $0xffff  }
0x5a: {  	s23 =	simm.s32 $0x1CA70;
	v1 =	vld.idx.msk [tilespmem:v1+s24+$0x0], $0xffff  }
0x5b: {  	[tilespmem:s23+$0x80] =	vst v4;
	v2 =	vld.idx.msk [tilespmem:v2+s24+$0x0], $0xffff  }
0x5c: {  	[tilespmem:s23+$0xFFFFFF80] =	vst v5;
	v4 =	vld [tilespmem:s1+$0x90]  }
0x5d: {  	v5 =	vld [tilespmem:s1+$0xFFFFFF90]  }
0x5e: {  	v3 =	vld.idx.msk [tilespmem:v3+s24+$0x0], $0xffff;
	[tilespmem:s2+$0xB0] =	vst v0  }
0x5f: {  	[tilespmem:s2+$0xFFFFFFB0] =	vst v1;
	v0 =	vld [tilespmem:s4+$0xC0]  }
0x60: {  	[tilespmem:s2+$0x30] =	vst v2;
	v1 =	vld [tilespmem:s4+$0xFFFFFFC0]  }
0x61: {  	v2 =	vld [tilespmem:s4+$0x40]  }
0x62: {  	v7 =	vld [tilespmem:s1+$0xFFFFFF00]  }
0x63: {  	v6 =	vld.idx.msk [tilespmem:v6+s24+$0x0], $0xffff  }
0x64: {  	v4 =	vld.idx.msk [tilespmem:v4+s24+$0x0], $0xffff;
	[tilespmem:s2+$0xFFFFFF30] =	vst v3  }
0x65: {  	v3 =	vld [tilespmem:s4+$0xFFFFFF40]  }
0x66: {  	v5 =	vld.idx.msk [tilespmem:v5+s24+$0x0], $0xffff  }
0x67: {  	v0 =	vld.idx.msk [tilespmem:v0+s24+$0x0], $0xffff  }
0x68: {  	v1 =	vld.idx.msk [tilespmem:v1+s24+$0x0], $0xffff  }
0x69: {  	[tilespmem:s23+$0x0] =	vst v6;
	v2 =	vld.idx.msk [tilespmem:v2+s24+$0x0], $0xffff  }
0x6a: {  	[tilespmem:s23+$0x90] =	vst v4  }
0x6b: {  	v7 =	vld.idx.msk [tilespmem:v7+s24+$0x0], $0xffff;
	[tilespmem:s23+$0xFFFFFF90] =	vst v5  }
0x6c: {  	v5 =	vld [tilespmem:s1+$0xA0];
	[tilespmem:s2+$0xC0] =	vst v0  }
0x6d: {  	[tilespmem:s2+$0xFFFFFFC0] =	vst v1;
	v1 =	vld.idx.msk [tilespmem:v3+s24+$0x0], $0xffff  }
0x6e: {  	[tilespmem:s2+$0x40] =	vst v2;
	v2 =	vld [tilespmem:s1+$0x10]  }
0x6f: {  	v0 =	vld [tilespmem:s4+$0xD0]  }
0x70: {  	v3 =	vld [tilespmem:s4+$0xFFFFFFD0]  }
0x71: {  	[tilespmem:s23+$0xFFFFFF00] =	vst v7;
	v6 =	vld [tilespmem:s4+$0x50]  }
0x72: {  	[tilespmem:s2+$0xFFFFFF40] =	vst v1;
	v1 =	vld [tilespmem:s1+$0xFFFFFF10]  }
0x73: {  	v7 =	vld [tilespmem:s4+$0xFFFFFF50];
	_ =	sdelay $0x1  }
0x74: {  	v5 =	vld.idx.msk [tilespmem:v5+s24+$0x0], $0xffff  }
0x75: {  	v2 =	vld.idx.msk [tilespmem:v2+s24+$0x0], $0xffff  }
0x76: {  	v0 =	vld.idx.msk [tilespmem:v0+s24+$0x0], $0xffff  }
0x77: {  	v3 =	vld.idx.msk [tilespmem:v3+s24+$0x0], $0xffff  }
0x78: {  	v6 =	vld.idx.msk [tilespmem:v6+s24+$0x0], $0xffff  }
0x79: {  	v1 =	vld.idx.msk [tilespmem:v1+s24+$0x0], $0xffff  }
0x7a: {  	v4 =	vld.idx.msk [tilespmem:v7+s24+$0x0], $0xffff  }
0x7b: {  	[tilespmem:s23+$0x10] =	vst v2;
	v7 =	vld [tilespmem:s1+$0xFFFFFFA0]  }
0x7c: {  	[tilespmem:s2+$0xD0] =	vst v0;
	v2 =	vld [tilespmem:s1+$0x20]  }
0x7d: {  	[tilespmem:s2+$0xFFFFFFD0] =	vst v3;
	v0 =	vld [tilespmem:s4+$0xE0]  }
0x7e: {  	v3 =	vld [tilespmem:s4+$0xFFFFFFE0];
	[tilespmem:s23+$0xFFFFFF10] =	vst v1  }
0x7f: {  	v1 =	vld [tilespmem:s1+$0xFFFFFF20];
	[tilespmem:s2+$0xFFFFFF50] =	vst v4  }
0x80: {  	[tilespmem:s23+$0xA0] =	vst v5;
	v4 =	vld [tilespmem:s4+$0xFFFFFF60]  }
0x81: {  	v5 =	vld [tilespmem:s1+$0xB0];
	[tilespmem:s2+$0x50] =	vst v6  }
0x82: {  	v6 =	vld [tilespmem:s4+$0x60]  }
0x83: {  	v7 =	vld.idx.msk [tilespmem:v7+s24+$0x0], $0xffff  }
0x84: {  	v2 =	vld.idx.msk [tilespmem:v2+s24+$0x0], $0xffff  }
0x85: {  	v0 =	vld.idx.msk [tilespmem:v0+s24+$0x0], $0xffff  }
0x86: {  	v3 =	vld.idx.msk [tilespmem:v3+s24+$0x0], $0xffff  }
0x87: {  	v1 =	vld.idx.msk [tilespmem:v1+s24+$0x0], $0xffff  }
0x88: {  	[tilespmem:s23+$0xFFFFFFA0] =	vst v7;
	v4 =	vld.idx.msk [tilespmem:v4+s24+$0x0], $0xffff  }
0x89: {  	[tilespmem:s23+$0x20] =	vst v2;
	v7 =	vld [tilespmem:s1+$0xFFFFFFB0]  }
0x8a: {  	[tilespmem:s2+$0xE0] =	vst v0;
	v2 =	vld [tilespmem:s1+$0x30]  }
0x8b: {  	v0 =	vld [tilespmem:s4+$0xF0]  }
0x8c: {  	v6 =	vld.idx.msk [tilespmem:v6+s24+$0x0], $0xffff;
	[tilespmem:s23+$0xFFFFFF20] =	vst v1  }
0x8d: {  	[tilespmem:s2+$0xFFFFFFE0] =	vst v3;
	v1 =	vld [tilespmem:s1+$0xFFFFFF30]  }
0x8e: {  	v3 =	vld.idx.msk [tilespmem:v5+s24+$0x0], $0xffff;
	[tilespmem:s2+$0xFFFFFF60] =	vst v4  }
0x8f: {  	v4 =	vld [tilespmem:s4+$0xFFFFFF70]  }
0x90: {  	v9 =	vld [tilespmem:s4+$0xFFFFFFF0]  }
0x91: {  	v5 =	vld.idx.msk [tilespmem:v7+s24+$0x0], $0xffff  }
0x92: {  	v2 =	vld.idx.msk [tilespmem:v2+s24+$0x0], $0xffff  }
0x93: {  	[tilespmem:s2+$0x60] =	vst v6;
	v8 =	vld.idx.msk [tilespmem:v0+s24+$0x0], $0xffff  }
0x94: {  	v0 =	vld [tilespmem:s4+$0x70]  }
0x95: {  	[tilespmem:s23+$0xB0] =	vst v3;
	v6 =	vld.idx.msk [tilespmem:v1+s24+$0x0], $0xffff  }
0x96: {  	[tilespmem:s23+$0xFFFFFFB0] =	vst v5;
	v5 =	vld [tilespmem:s1+$0xC0]  }
0x97: {  	v1 =	vld.idx.msk [tilespmem:v4+s24+$0x0], $0xffff  }
0x98: {  	[tilespmem:s23+$0x30] =	vst v2;
	v2 =	vld.idx.msk [tilespmem:v9+s24+$0x0], $0xffff  }
0x99: {  	v3 =	vld [tilespmem:s1+$0xFFFFFFC0]  }
0x9a: {  	s30 =	simm.s32 $0x1CA70;
	s5 =	simm.s32 $0x1A470;
	s4 =	simm.s32 $0x4;
	v4 =	vld [tilespmem:s1+$0x40];
	[tilespmem:s2+$0xF0] =	vst v8  }
.LBB2_2:
0x9b: {  	v7 =	vld [tilespmem:s5+$0x80];
	s4 =	sadd.s32 $0x4, s4;
	[tilespmem:s23+$0xFFFFFF30] =	vst v6  }
0x9c: {  	v6 =	vld [tilespmem:s5+$0xFFFFFF80];
	p1 =	slt.u32 s4, $0x24;
	[tilespmem:s2+$0xFFFFFF70] =	vst v1  }
0x9d: {  	v1 =	vld [tilespmem:s5+$0x0]  }
0x9e: {  	v8 =	vld [tilespmem:s5+$0xFFFFFF00]  }
0x9f: {  	v5 =	vld.idx.msk [tilespmem:v5+s24+$0x0], $0xffff  }
0xa0: {  	v9 =	vld [tilespmem:s1+$0xFFFFFF40];
	[tilespmem:s2+$0xFFFFFFF0] =	vst v2  }
0xa1: {  	v2 =	vld.idx.msk [tilespmem:v3+s24+$0x0], $0xffff  }
0xa2: {  	v3 =	vld.idx.msk [tilespmem:v4+s24+$0x0], $0xffff  }
0xa3: {  	v4 =	vld.idx.msk [tilespmem:v7+s24+$0x0], $0xffff  }
0xa4: {  	v6 =	vld.idx.msk [tilespmem:v6+s24+$0x0], $0xffff  }
0xa5: {  	v1 =	vld.idx.msk [tilespmem:v1+s24+$0x0], $0xffff;
	[tilespmem:s23+$0xC0] =	vst v5  }
0xa6: {  	v5 =	vld [tilespmem:s1+$0xD0]  }
0xa7: {  	v7 =	vld.idx.msk [tilespmem:v8+s24+$0x0], $0xffff;
	[tilespmem:s23+$0xFFFFFFC0] =	vst v2  }
0xa8: {  	s23 =	sadd.s32 $0x200, s23;
	v2 =	vld.idx.msk [tilespmem:v9+s24+$0x0], $0xffff;
	[tilespmem:s30+$0x40] =	vst v3  }
0xa9: {  	[tilespmem:s23+$0x80] =	vst v4;
	v3 =	vld [tilespmem:s1+$0xFFFFFFD0]  }
0xaa: {  	[tilespmem:s23+$0xFFFFFF80] =	vst v6;
	v4 =	vld [tilespmem:s5+$0x90]  }
0xab: {  	v6 =	vld [tilespmem:s5+$0xFFFFFF90];
	[tilespmem:s23+$0x0] =	vst v1  }
0xac: {  	v1 =	vld [tilespmem:s5+$0x10]  }
0xad: {  	[tilespmem:s23+$0xFFFFFF00] =	vst v7;
	v7 =	vld [tilespmem:s1+$0x50]  }
0xae: {  	[tilespmem:s30+$0xFFFFFF40] =	vst v2;
	v2 =	vld.idx.msk [tilespmem:v5+s24+$0x0], $0xffff  }
0xaf: {  	v5 =	vld [tilespmem:s5+$0xFFFFFF10]  }
0xb0: {  	v8 =	vld [tilespmem:s1+$0xFFFFFF50]  }
0xb1: {  	v3 =	vld.idx.msk [tilespmem:v3+s24+$0x0], $0xffff  }
0xb2: {  	v4 =	vld.idx.msk [tilespmem:v4+s24+$0x0], $0xffff  }
0xb3: {  	v6 =	vld.idx.msk [tilespmem:v6+s24+$0x0], $0xffff  }
0xb4: {  	v1 =	vld.idx.msk [tilespmem:v1+s24+$0x0], $0xffff;
	[tilespmem:s30+$0xD0] =	vst v2  }
0xb5: {  	v2 =	vld [tilespmem:s1+$0xE0]  }
0xb6: {  	v7 =	vld.idx.msk [tilespmem:v7+s24+$0x0], $0xffff  }
0xb7: {  	v5 =	vld.idx.msk [tilespmem:v5+s24+$0x0], $0xffff;
	[tilespmem:s30+$0xFFFFFFD0] =	vst v3  }
0xb8: {  	[tilespmem:s23+$0x90] =	vst v4;
	v3 =	vld.idx.msk [tilespmem:v8+s24+$0x0], $0xffff  }
0xb9: {  	[tilespmem:s23+$0xFFFFFF90] =	vst v6;
	v4 =	vld [tilespmem:s5+$0xA0]  }
0xba: {  	v6 =	vld [tilespmem:s5+$0xFFFFFFA0];
	[tilespmem:s23+$0x10] =	vst v1  }
0xbb: {  	v1 =	vld [tilespmem:s5+$0x20]  }
0xbc: {  	v8 =	vld [tilespmem:s1+$0xFFFFFFE0];
	[tilespmem:s30+$0x50] =	vst v7  }
0xbd: {  	[tilespmem:s23+$0xFFFFFF10] =	vst v5;
	v2 =	vld.idx.msk [tilespmem:v2+s24+$0x0], $0xffff  }
0xbe: {  	v5 =	vld [tilespmem:s5+$0xFFFFFF20];
	[tilespmem:s30+$0xFFFFFF50] =	vst v3  }
0xbf: {  	v3 =	vld [tilespmem:s1+$0xFFFFFF60]  }
0xc0: {  	v7 =	vld [tilespmem:s1+$0x60]  }
0xc1: {  	v4 =	vld.idx.msk [tilespmem:v4+s24+$0x0], $0xffff  }
0xc2: {  	v6 =	vld.idx.msk [tilespmem:v6+s24+$0x0], $0xffff  }
0xc3: {  	v1 =	vld.idx.msk [tilespmem:v1+s24+$0x0], $0xffff;
	[tilespmem:s30+$0xE0] =	vst v2  }
0xc4: {  	v2 =	vld [tilespmem:s1+$0xF0]  }
0xc5: {  	v8 =	vld.idx.msk [tilespmem:v8+s24+$0x0], $0xffff  }
0xc6: {  	v5 =	vld.idx.msk [tilespmem:v5+s24+$0x0], $0xffff  }
0xc7: {  	[tilespmem:s23+$0xA0] =	vst v4;
	v3 =	vld.idx.msk [tilespmem:v3+s24+$0x0], $0xffff  }
0xc8: {  	[tilespmem:s23+$0xFFFFFFA0] =	vst v6;
	v4 =	vld [tilespmem:s5+$0xB0]  }
0xc9: {  	v6 =	vld [tilespmem:s5+$0xFFFFFFB0];
	[tilespmem:s23+$0x20] =	vst v1  }
0xca: {  	v1 =	vld [tilespmem:s5+$0x30]  }
0xcb: {  	[tilespmem:s30+$0xFFFFFFE0] =	vst v8;
	v7 =	vld.idx.msk [tilespmem:v7+s24+$0x0], $0xffff  }
0xcc: {  	[tilespmem:s23+$0xFFFFFF20] =	vst v5;
	v2 =	vld.idx.msk [tilespmem:v2+s24+$0x0], $0xffff  }
0xcd: {  	v5 =	vld [tilespmem:s5+$0xFFFFFF30];
	[tilespmem:s30+$0xFFFFFF60] =	vst v3  }
0xce: {  	v3 =	vld [tilespmem:s1+$0xFFFFFF70]  }
0xcf: {  	v8 =	vld [tilespmem:s1+$0xFFFFFFF0]  }
0xd0: {  	v4 =	vld.idx.msk [tilespmem:v4+s24+$0x0], $0xffff  }
0xd1: {  	v9 =	vld.idx.msk [tilespmem:v6+s24+$0x0], $0xffff;
	[tilespmem:s30+$0x60] =	vst v7  }
0xd2: {  	v7 =	vld.idx.msk [tilespmem:v1+s24+$0x0], $0xffff;
	[tilespmem:s30+$0xF0] =	vst v2  }
0xd3: {  	v2 =	vld [tilespmem:s1+$0x70];
	s1 =	smov.u32 s5  }
0xd4: {  	v10 =	vld.idx.msk [tilespmem:v0+s24+$0x0], $0xffff  }
0xd5: {  	v6 =	vld.idx.msk [tilespmem:v5+s24+$0x0], $0xffff  }
.Ltmp0:
0xd6: {  	[tilespmem:s23+$0xB0] =	vst v4;
	v1 =	vld.idx.msk [tilespmem:v3+s24+$0x0], $0xffff;
	(pc) =	sbr.rel @p1 .LBB2_2-.Ltmp0, $4  }
0xd7: {  	[tilespmem:s23+$0xFFFFFFB0] =	vst v9;
	v5 =	vld [tilespmem:s5+$0xC0]  }
0xd8: {  	v3 =	vld [tilespmem:s5+$0xFFFFFFC0];
	[tilespmem:s23+$0x30] =	vst v7;
	v0 =	vmov v2  }
0xd9: {  	v4 =	vld [tilespmem:s5+$0x40]  }
0xda: {  	s5 =	sadd.s32 $0x200, s5;
	v2 =	vld.idx.msk [tilespmem:v8+s24+$0x0], $0xffff;
	[tilespmem:s2+$0x70] =	vst v10;
	s2 =	smov.u32 s30;
	s30 =	smov.u32 s23  }
0xdb: {  	[tilespmem:s23+$0xFFFFFF30] =	vst v6  }
0xdc: {  	v6 =	vld [tilespmem:s1+$0xFFFFFF40];
	_ =	sdelay $0x4  }
0xdd: {  	v5 =	vld.idx.msk [tilespmem:v5+s24+$0x0], $0xffff  }
0xde: {  	v3 =	vld.idx.msk [tilespmem:v3+s24+$0x0], $0xffff  }
0xdf: {  	v4 =	vld.idx.msk [tilespmem:v4+s24+$0x0], $0xffff  }
0xe0: {  	v6 =	vld.idx.msk [tilespmem:v6+s24+$0x0], $0xffff;
	_ =	sdelay $0x1  }
0xe1: {  	[tilespmem:s23+$0xC0] =	vst v5  }
0xe2: {  	v5 =	vld [tilespmem:s1+$0xD0];
	[tilespmem:s23+$0xFFFFFFC0] =	vst v3  }
0xe3: {  	[tilespmem:s30+$0x40] =	vst v4;
	v4 =	vld [tilespmem:s1+$0xFFFFFFD0]  }
0xe4: {  	[tilespmem:s30+$0xFFFFFF40] =	vst v6;
	v6 =	vld [tilespmem:s1+$0x50]  }
0xe5: {  	v3 =	vld [tilespmem:s1+$0xFFFFFF50];
	_ =	sdelay $0x4  }
0xe6: {  	v5 =	vld.idx.msk [tilespmem:v5+s24+$0x0], $0xffff  }
0xe7: {  	v4 =	vld.idx.msk [tilespmem:v4+s24+$0x0], $0xffff  }
0xe8: {  	v6 =	vld.idx.msk [tilespmem:v6+s24+$0x0], $0xffff  }
0xe9: {  	v3 =	vld.idx.msk [tilespmem:v3+s24+$0x0], $0xffff;
	_ =	sdelay $0x1  }
0xea: {  	[tilespmem:s30+$0xD0] =	vst v5  }
0xeb: {  	v5 =	vld [tilespmem:s1+$0xE0];
	[tilespmem:s30+$0xFFFFFFD0] =	vst v4  }
0xec: {  	v4 =	vld [tilespmem:s1+$0xFFFFFFE0];
	[tilespmem:s30+$0x50] =	vst v6  }
0xed: {  	[tilespmem:s30+$0xFFFFFF50] =	vst v3;
	v6 =	vld [tilespmem:s1+$0x60]  }
0xee: {  	v3 =	vld [tilespmem:s1+$0xFFFFFF60];
	_ =	sdelay $0x4  }
0xef: {  	v5 =	vld.idx.msk [tilespmem:v5+s24+$0x0], $0xffff  }
0xf0: {  	v4 =	vld.idx.msk [tilespmem:v4+s24+$0x0], $0xffff  }
0xf1: {  	v6 =	vld.idx.msk [tilespmem:v6+s24+$0x0], $0xffff  }
0xf2: {  	v3 =	vld.idx.msk [tilespmem:v3+s24+$0x0], $0xffff;
	_ =	sdelay $0x1  }
0xf3: {  	[tilespmem:s30+$0xE0] =	vst v5  }
0xf4: {  	v5 =	vld [tilespmem:s1+$0xF0];
	[tilespmem:s30+$0xFFFFFFE0] =	vst v4  }
0xf5: {  	v4 =	vld [tilespmem:s1+$0xFFFFFFF0];
	[tilespmem:s30+$0x60] =	vst v6  }
0xf6: {  	[tilespmem:s30+$0xFFFFFF60] =	vst v3;
	v6 =	vld [tilespmem:s1+$0x70]  }
0xf7: {  	v3 =	vld [tilespmem:s1+$0xFFFFFF70];
	_ =	sdelay $0x3  }
0xf8: {  	v0 =	vld.idx.msk [tilespmem:v0+s24+$0x0], $0xffff  }
0xf9: {  	v5 =	vld.idx.msk [tilespmem:v5+s24+$0x0], $0xffff  }
0xfa: {  	[tilespmem:s2+$0xFFFFFF70] =	vst v1;
	v1 =	vld.idx.msk [tilespmem:v4+s24+$0x0], $0xffff  }
0xfb: {  	[tilespmem:s2+$0xFFFFFFF0] =	vst v2;
	v2 =	vld.idx.msk [tilespmem:v6+s24+$0x0], $0xffff  }
0xfc: {  	v3 =	vld.idx.msk [tilespmem:v3+s24+$0x0], $0xffff  }
0xfd: {  	[tilespmem:s2+$0x70] =	vst v0  }
0xfe: {  	[tilespmem:s30+$0xF0] =	vst v5  }
0xff: {  	[tilespmem:s30+$0xFFFFFFF0] =	vst v1  }
0x100: {  	[tilespmem:s30+$0x70] =	vst v2  }
0x101: {  	[tilespmem:s30+$0xFFFFFF70] =	vst v3  }
0x102: {  	[hbm4b:s11+s20] =	stream.strided.scatter [tilespmem:s28], [sflag:$0x4], $0x1400, s21, s20, $0x38;
	[tilespmem:$0x1EF70] =	vst v63  }
0x103: {  	_ = 	snop  }
0x104: {  	[tilespmem:s22], [sflag:$0x2] =	stream.strided.gather [hbm4b:s12+s20], $0x1400, s21, s20, $0x38;
	[tilespmem:$0x1EF70] =	vst v63  }
0x105: {  	_ =	swait.ge [sflag:s29], $0x1400  }
0x106: {  	[sflag:s29] =	ssyncset.done $0x0  }
0x107: {  	s4 =	simm.s32 $0x1B470;
	[sflag:s29] =	ssyncadd.s32 $0xFFFFEC00  }
0x108: {  	v0 =	vld [tilespmem:s4+$0x80]  }
0x109: {  	v1 =	vld [tilespmem:s4+$0xFFFFFF80]  }
0x10a: {  	v2 =	vld [tilespmem:s4+$0x0];
	_ =	sdelay $0x2  }
0x10b: {  	v3 =	vld [tilespmem:s4+$0xFFFFFF00];
	_ =	sdelay $0x2  }
0x10c: {  	v0 =	vld.idx.msk [tilespmem:v0+s24+$0x0], $0xffff  }
0x10d: {  	v1 =	vld.idx.msk [tilespmem:v1+s24+$0x0], $0xffff  }
0x10e: {  	v2 =	vld.idx.msk [tilespmem:v2+s24+$0x0], $0xffff;
	_ =	sdelay $0x1  }
0x10f: {  	s2 =	simm.s32 $0x1DC70  }
0x110: {  	v3 =	vld.idx.msk [tilespmem:v3+s24+$0x0], $0xffff;
	[tilespmem:s2+$0x80] =	vst v0  }
0x111: {  	[tilespmem:s2+$0xFFFFFF80] =	vst v1;
	v0 =	vld [tilespmem:s4+$0x90]  }
0x112: {  	[tilespmem:s2+$0x0] =	vst v2;
	v1 =	vld [tilespmem:s4+$0xFFFFFF90]  }
0x113: {  	v2 =	vld [tilespmem:s4+$0x10];
	_ =	sdelay $0x1  }
0x114: {  	[tilespmem:s2+$0xFFFFFF00] =	vst v3  }
0x115: {  	v3 =	vld [tilespmem:s4+$0xFFFFFF10];
	_ =	sdelay $0x2  }
0x116: {  	v0 =	vld.idx.msk [tilespmem:v0+s24+$0x0], $0xffff  }
0x117: {  	v1 =	vld.idx.msk [tilespmem:v1+s24+$0x0], $0xffff  }
0x118: {  	v2 =	vld.idx.msk [tilespmem:v2+s24+$0x0], $0xffff;
	_ =	sdelay $0x2  }
0x119: {  	v3 =	vld.idx.msk [tilespmem:v3+s24+$0x0], $0xffff;
	[tilespmem:s2+$0x90] =	vst v0  }
0x11a: {  	[tilespmem:s2+$0xFFFFFF90] =	vst v1;
	v0 =	vld [tilespmem:s4+$0xA0]  }
0x11b: {  	[tilespmem:s2+$0x10] =	vst v2;
	v1 =	vld [tilespmem:s4+$0xFFFFFFA0]  }
0x11c: {  	v2 =	vld [tilespmem:s4+$0x20];
	_ =	sdelay $0x1  }
0x11d: {  	[tilespmem:s2+$0xFFFFFF10] =	vst v3  }
0x11e: {  	v3 =	vld [tilespmem:s4+$0xFFFFFF20]  }
0x11f: {  	s1 =	simm.s32 $0x1B670  }
0x120: {  	v4 =	vld [tilespmem:s1+$0x80]  }
0x121: {  	v0 =	vld.idx.msk [tilespmem:v0+s24+$0x0], $0xffff  }
0x122: {  	v1 =	vld.idx.msk [tilespmem:v1+s24+$0x0], $0xffff  }
0x123: {  	v2 =	vld.idx.msk [tilespmem:v2+s24+$0x0], $0xffff;
	_ =	sdelay $0x1  }
0x124: {  	v5 =	vld [tilespmem:s1+$0xFFFFFF80]  }
0x125: {  	v3 =	vld.idx.msk [tilespmem:v3+s24+$0x0], $0xffff;
	[tilespmem:s2+$0xA0] =	vst v0  }
0x126: {  	[tilespmem:s2+$0xFFFFFFA0] =	vst v1;
	v0 =	vld [tilespmem:s4+$0xB0]  }
0x127: {  	[tilespmem:s2+$0x20] =	vst v2;
	v1 =	vld [tilespmem:s4+$0xFFFFFFB0]  }
0x128: {  	v2 =	vld [tilespmem:s4+$0x30];
	_ =	sdelay $0x1  }
0x129: {  	v4 =	vld.idx.msk [tilespmem:v4+s24+$0x0], $0xffff;
	[tilespmem:s2+$0xFFFFFF20] =	vst v3  }
0x12a: {  	v3 =	vld [tilespmem:s4+$0xFFFFFF30]  }
0x12b: {  	v5 =	vld.idx.msk [tilespmem:v5+s24+$0x0], $0xffff  }
0x12c: {  	v6 =	vld [tilespmem:s1+$0x0]  }
0x12d: {  	v0 =	vld.idx.msk [tilespmem:v0+s24+$0x0], $0xffff  }
0x12e: {  	s23 =	simm.s32 $0x1DE70;
	v1 =	vld.idx.msk [tilespmem:v1+s24+$0x0], $0xffff  }
0x12f: {  	[tilespmem:s23+$0x80] =	vst v4;
	v2 =	vld.idx.msk [tilespmem:v2+s24+$0x0], $0xffff  }
0x130: {  	[tilespmem:s23+$0xFFFFFF80] =	vst v5;
	v4 =	vld [tilespmem:s1+$0x90]  }
0x131: {  	v5 =	vld [tilespmem:s1+$0xFFFFFF90]  }
0x132: {  	v3 =	vld.idx.msk [tilespmem:v3+s24+$0x0], $0xffff;
	[tilespmem:s2+$0xB0] =	vst v0  }
0x133: {  	[tilespmem:s2+$0xFFFFFFB0] =	vst v1;
	v0 =	vld [tilespmem:s4+$0xC0]  }
0x134: {  	[tilespmem:s2+$0x30] =	vst v2;
	v1 =	vld [tilespmem:s4+$0xFFFFFFC0]  }
0x135: {  	v2 =	vld [tilespmem:s4+$0x40]  }
0x136: {  	v7 =	vld [tilespmem:s1+$0xFFFFFF00]  }
0x137: {  	v6 =	vld.idx.msk [tilespmem:v6+s24+$0x0], $0xffff  }
0x138: {  	v4 =	vld.idx.msk [tilespmem:v4+s24+$0x0], $0xffff;
	[tilespmem:s2+$0xFFFFFF30] =	vst v3  }
0x139: {  	v3 =	vld [tilespmem:s4+$0xFFFFFF40]  }
0x13a: {  	v5 =	vld.idx.msk [tilespmem:v5+s24+$0x0], $0xffff  }
0x13b: {  	v0 =	vld.idx.msk [tilespmem:v0+s24+$0x0], $0xffff  }
0x13c: {  	v1 =	vld.idx.msk [tilespmem:v1+s24+$0x0], $0xffff  }
0x13d: {  	[tilespmem:s23+$0x0] =	vst v6;
	v2 =	vld.idx.msk [tilespmem:v2+s24+$0x0], $0xffff  }
0x13e: {  	[tilespmem:s23+$0x90] =	vst v4  }
0x13f: {  	v7 =	vld.idx.msk [tilespmem:v7+s24+$0x0], $0xffff;
	[tilespmem:s23+$0xFFFFFF90] =	vst v5  }
0x140: {  	v5 =	vld [tilespmem:s1+$0xA0];
	[tilespmem:s2+$0xC0] =	vst v0  }
0x141: {  	[tilespmem:s2+$0xFFFFFFC0] =	vst v1;
	v1 =	vld.idx.msk [tilespmem:v3+s24+$0x0], $0xffff  }
0x142: {  	[tilespmem:s2+$0x40] =	vst v2;
	v2 =	vld [tilespmem:s1+$0x10]  }
0x143: {  	v0 =	vld [tilespmem:s4+$0xD0]  }
0x144: {  	v3 =	vld [tilespmem:s4+$0xFFFFFFD0]  }
0x145: {  	[tilespmem:s23+$0xFFFFFF00] =	vst v7;
	v6 =	vld [tilespmem:s4+$0x50]  }
0x146: {  	[tilespmem:s2+$0xFFFFFF40] =	vst v1;
	v1 =	vld [tilespmem:s1+$0xFFFFFF10]  }
0x147: {  	v7 =	vld [tilespmem:s4+$0xFFFFFF50];
	_ =	sdelay $0x1  }
0x148: {  	v5 =	vld.idx.msk [tilespmem:v5+s24+$0x0], $0xffff  }
0x149: {  	v2 =	vld.idx.msk [tilespmem:v2+s24+$0x0], $0xffff  }
0x14a: {  	v0 =	vld.idx.msk [tilespmem:v0+s24+$0x0], $0xffff  }
0x14b: {  	v3 =	vld.idx.msk [tilespmem:v3+s24+$0x0], $0xffff  }
0x14c: {  	v6 =	vld.idx.msk [tilespmem:v6+s24+$0x0], $0xffff  }
0x14d: {  	v1 =	vld.idx.msk [tilespmem:v1+s24+$0x0], $0xffff  }
0x14e: {  	v4 =	vld.idx.msk [tilespmem:v7+s24+$0x0], $0xffff  }
0x14f: {  	[tilespmem:s23+$0x10] =	vst v2;
	v7 =	vld [tilespmem:s1+$0xFFFFFFA0]  }
0x150: {  	[tilespmem:s2+$0xD0] =	vst v0;
	v2 =	vld [tilespmem:s1+$0x20]  }
0x151: {  	[tilespmem:s2+$0xFFFFFFD0] =	vst v3;
	v0 =	vld [tilespmem:s4+$0xE0]  }
0x152: {  	v3 =	vld [tilespmem:s4+$0xFFFFFFE0];
	[tilespmem:s23+$0xFFFFFF10] =	vst v1  }
0x153: {  	v1 =	vld [tilespmem:s1+$0xFFFFFF20];
	[tilespmem:s2+$0xFFFFFF50] =	vst v4  }
0x154: {  	[tilespmem:s23+$0xA0] =	vst v5;
	v4 =	vld [tilespmem:s4+$0xFFFFFF60]  }
0x155: {  	v5 =	vld [tilespmem:s1+$0xB0];
	[tilespmem:s2+$0x50] =	vst v6  }
0x156: {  	v6 =	vld [tilespmem:s4+$0x60]  }
0x157: {  	v7 =	vld.idx.msk [tilespmem:v7+s24+$0x0], $0xffff  }
0x158: {  	v2 =	vld.idx.msk [tilespmem:v2+s24+$0x0], $0xffff  }
0x159: {  	v0 =	vld.idx.msk [tilespmem:v0+s24+$0x0], $0xffff  }
0x15a: {  	v3 =	vld.idx.msk [tilespmem:v3+s24+$0x0], $0xffff  }
0x15b: {  	v1 =	vld.idx.msk [tilespmem:v1+s24+$0x0], $0xffff  }
0x15c: {  	[tilespmem:s23+$0xFFFFFFA0] =	vst v7;
	v4 =	vld.idx.msk [tilespmem:v4+s24+$0x0], $0xffff  }
0x15d: {  	[tilespmem:s23+$0x20] =	vst v2;
	v7 =	vld [tilespmem:s1+$0xFFFFFFB0]  }
0x15e: {  	[tilespmem:s2+$0xE0] =	vst v0;
	v2 =	vld [tilespmem:s1+$0x30]  }
0x15f: {  	v0 =	vld [tilespmem:s4+$0xF0]  }
0x160: {  	v6 =	vld.idx.msk [tilespmem:v6+s24+$0x0], $0xffff;
	[tilespmem:s23+$0xFFFFFF20] =	vst v1  }
0x161: {  	[tilespmem:s2+$0xFFFFFFE0] =	vst v3;
	v1 =	vld [tilespmem:s1+$0xFFFFFF30]  }
0x162: {  	v3 =	vld.idx.msk [tilespmem:v5+s24+$0x0], $0xffff;
	[tilespmem:s2+$0xFFFFFF60] =	vst v4  }
0x163: {  	v4 =	vld [tilespmem:s4+$0xFFFFFF70]  }
0x164: {  	v9 =	vld [tilespmem:s4+$0xFFFFFFF0]  }
0x165: {  	v5 =	vld.idx.msk [tilespmem:v7+s24+$0x0], $0xffff  }
0x166: {  	v2 =	vld.idx.msk [tilespmem:v2+s24+$0x0], $0xffff  }
0x167: {  	[tilespmem:s2+$0x60] =	vst v6;
	v8 =	vld.idx.msk [tilespmem:v0+s24+$0x0], $0xffff  }
0x168: {  	v0 =	vld [tilespmem:s4+$0x70]  }
0x169: {  	[tilespmem:s23+$0xB0] =	vst v3;
	v6 =	vld.idx.msk [tilespmem:v1+s24+$0x0], $0xffff  }
0x16a: {  	[tilespmem:s23+$0xFFFFFFB0] =	vst v5;
	v5 =	vld [tilespmem:s1+$0xC0]  }
0x16b: {  	v1 =	vld.idx.msk [tilespmem:v4+s24+$0x0], $0xffff  }
0x16c: {  	[tilespmem:s23+$0x30] =	vst v2;
	v2 =	vld.idx.msk [tilespmem:v9+s24+$0x0], $0xffff  }
0x16d: {  	v3 =	vld [tilespmem:s1+$0xFFFFFFC0]  }
0x16e: {  	s5 =	simm.s32 $0x1B870;
	s30 =	simm.s32 $0x1DE70;
	s4 =	simm.s32 $0x4;
	v4 =	vld [tilespmem:s1+$0x40];
	[tilespmem:s2+$0xF0] =	vst v8  }
.LBB2_4:
0x16f: {  	v7 =	vld [tilespmem:s5+$0x80];
	s4 =	sadd.s32 $0x4, s4;
	[tilespmem:s23+$0xFFFFFF30] =	vst v6  }
0x170: {  	v6 =	vld [tilespmem:s5+$0xFFFFFF80];
	p1 =	slt.u32 s4, $0x24;
	[tilespmem:s2+$0xFFFFFF70] =	vst v1  }
0x171: {  	v1 =	vld [tilespmem:s5+$0x0]  }
0x172: {  	v8 =	vld [tilespmem:s5+$0xFFFFFF00]  }
0x173: {  	v5 =	vld.idx.msk [tilespmem:v5+s24+$0x0], $0xffff  }
0x174: {  	v9 =	vld [tilespmem:s1+$0xFFFFFF40];
	[tilespmem:s2+$0xFFFFFFF0] =	vst v2  }
0x175: {  	v2 =	vld.idx.msk [tilespmem:v3+s24+$0x0], $0xffff  }
0x176: {  	v3 =	vld.idx.msk [tilespmem:v4+s24+$0x0], $0xffff  }
0x177: {  	v4 =	vld.idx.msk [tilespmem:v7+s24+$0x0], $0xffff  }
0x178: {  	v6 =	vld.idx.msk [tilespmem:v6+s24+$0x0], $0xffff  }
0x179: {  	v1 =	vld.idx.msk [tilespmem:v1+s24+$0x0], $0xffff;
	[tilespmem:s23+$0xC0] =	vst v5  }
0x17a: {  	v5 =	vld [tilespmem:s1+$0xD0]  }
0x17b: {  	v7 =	vld.idx.msk [tilespmem:v8+s24+$0x0], $0xffff;
	[tilespmem:s23+$0xFFFFFFC0] =	vst v2  }
0x17c: {  	s23 =	sadd.s32 $0x200, s23;
	v2 =	vld.idx.msk [tilespmem:v9+s24+$0x0], $0xffff;
	[tilespmem:s30+$0x40] =	vst v3  }
0x17d: {  	[tilespmem:s23+$0x80] =	vst v4;
	v3 =	vld [tilespmem:s1+$0xFFFFFFD0]  }
0x17e: {  	[tilespmem:s23+$0xFFFFFF80] =	vst v6;
	v4 =	vld [tilespmem:s5+$0x90]  }
0x17f: {  	v6 =	vld [tilespmem:s5+$0xFFFFFF90];
	[tilespmem:s23+$0x0] =	vst v1  }
0x180: {  	v1 =	vld [tilespmem:s5+$0x10]  }
0x181: {  	[tilespmem:s23+$0xFFFFFF00] =	vst v7;
	v7 =	vld [tilespmem:s1+$0x50]  }
0x182: {  	[tilespmem:s30+$0xFFFFFF40] =	vst v2;
	v2 =	vld.idx.msk [tilespmem:v5+s24+$0x0], $0xffff  }
0x183: {  	v5 =	vld [tilespmem:s5+$0xFFFFFF10]  }
0x184: {  	v8 =	vld [tilespmem:s1+$0xFFFFFF50]  }
0x185: {  	v3 =	vld.idx.msk [tilespmem:v3+s24+$0x0], $0xffff  }
0x186: {  	v4 =	vld.idx.msk [tilespmem:v4+s24+$0x0], $0xffff  }
0x187: {  	v6 =	vld.idx.msk [tilespmem:v6+s24+$0x0], $0xffff  }
0x188: {  	v1 =	vld.idx.msk [tilespmem:v1+s24+$0x0], $0xffff;
	[tilespmem:s30+$0xD0] =	vst v2  }
0x189: {  	v2 =	vld [tilespmem:s1+$0xE0]  }
0x18a: {  	v7 =	vld.idx.msk [tilespmem:v7+s24+$0x0], $0xffff  }
0x18b: {  	v5 =	vld.idx.msk [tilespmem:v5+s24+$0x0], $0xffff;
	[tilespmem:s30+$0xFFFFFFD0] =	vst v3  }
0x18c: {  	[tilespmem:s23+$0x90] =	vst v4;
	v3 =	vld.idx.msk [tilespmem:v8+s24+$0x0], $0xffff  }
0x18d: {  	[tilespmem:s23+$0xFFFFFF90] =	vst v6;
	v4 =	vld [tilespmem:s5+$0xA0]  }
0x18e: {  	v6 =	vld [tilespmem:s5+$0xFFFFFFA0];
	[tilespmem:s23+$0x10] =	vst v1  }
0x18f: {  	v1 =	vld [tilespmem:s5+$0x20]  }
0x190: {  	v8 =	vld [tilespmem:s1+$0xFFFFFFE0];
	[tilespmem:s30+$0x50] =	vst v7  }
0x191: {  	[tilespmem:s23+$0xFFFFFF10] =	vst v5;
	v2 =	vld.idx.msk [tilespmem:v2+s24+$0x0], $0xffff  }
0x192: {  	v5 =	vld [tilespmem:s5+$0xFFFFFF20];
	[tilespmem:s30+$0xFFFFFF50] =	vst v3  }
0x193: {  	v3 =	vld [tilespmem:s1+$0xFFFFFF60]  }
0x194: {  	v7 =	vld [tilespmem:s1+$0x60]  }
0x195: {  	v4 =	vld.idx.msk [tilespmem:v4+s24+$0x0], $0xffff  }
0x196: {  	v6 =	vld.idx.msk [tilespmem:v6+s24+$0x0], $0xffff  }
0x197: {  	v1 =	vld.idx.msk [tilespmem:v1+s24+$0x0], $0xffff;
	[tilespmem:s30+$0xE0] =	vst v2  }
0x198: {  	v2 =	vld [tilespmem:s1+$0xF0]  }
0x199: {  	v8 =	vld.idx.msk [tilespmem:v8+s24+$0x0], $0xffff  }
0x19a: {  	v5 =	vld.idx.msk [tilespmem:v5+s24+$0x0], $0xffff  }
0x19b: {  	[tilespmem:s23+$0xA0] =	vst v4;
	v3 =	vld.idx.msk [tilespmem:v3+s24+$0x0], $0xffff  }
0x19c: {  	[tilespmem:s23+$0xFFFFFFA0] =	vst v6;
	v4 =	vld [tilespmem:s5+$0xB0]  }
0x19d: {  	v6 =	vld [tilespmem:s5+$0xFFFFFFB0];
	[tilespmem:s23+$0x20] =	vst v1  }
0x19e: {  	v1 =	vld [tilespmem:s5+$0x30]  }
0x19f: {  	[tilespmem:s30+$0xFFFFFFE0] =	vst v8;
	v7 =	vld.idx.msk [tilespmem:v7+s24+$0x0], $0xffff  }
0x1a0: {  	[tilespmem:s23+$0xFFFFFF20] =	vst v5;
	v2 =	vld.idx.msk [tilespmem:v2+s24+$0x0], $0xffff  }
0x1a1: {  	v5 =	vld [tilespmem:s5+$0xFFFFFF30];
	[tilespmem:s30+$0xFFFFFF60] =	vst v3  }
0x1a2: {  	v3 =	vld [tilespmem:s1+$0xFFFFFF70]  }
0x1a3: {  	v8 =	vld [tilespmem:s1+$0xFFFFFFF0]  }
0x1a4: {  	v4 =	vld.idx.msk [tilespmem:v4+s24+$0x0], $0xffff  }
0x1a5: {  	v9 =	vld.idx.msk [tilespmem:v6+s24+$0x0], $0xffff;
	[tilespmem:s30+$0x60] =	vst v7  }
0x1a6: {  	v7 =	vld.idx.msk [tilespmem:v1+s24+$0x0], $0xffff;
	[tilespmem:s30+$0xF0] =	vst v2  }
0x1a7: {  	v2 =	vld [tilespmem:s1+$0x70];
	s1 =	smov.u32 s5  }
0x1a8: {  	v10 =	vld.idx.msk [tilespmem:v0+s24+$0x0], $0xffff  }
0x1a9: {  	v6 =	vld.idx.msk [tilespmem:v5+s24+$0x0], $0xffff  }
.Ltmp1:
0x1aa: {  	[tilespmem:s23+$0xB0] =	vst v4;
	v1 =	vld.idx.msk [tilespmem:v3+s24+$0x0], $0xffff;
	(pc) =	sbr.rel @p1 .LBB2_4-.Ltmp1, $4  }
0x1ab: {  	[tilespmem:s23+$0xFFFFFFB0] =	vst v9;
	v5 =	vld [tilespmem:s5+$0xC0]  }
0x1ac: {  	v3 =	vld [tilespmem:s5+$0xFFFFFFC0];
	[tilespmem:s23+$0x30] =	vst v7;
	v0 =	vmov v2  }
0x1ad: {  	v4 =	vld [tilespmem:s5+$0x40]  }
0x1ae: {  	s5 =	sadd.s32 $0x200, s5;
	v2 =	vld.idx.msk [tilespmem:v8+s24+$0x0], $0xffff;
	[tilespmem:s2+$0x70] =	vst v10;
	s2 =	smov.u32 s30;
	s30 =	smov.u32 s23  }
0x1af: {  	[tilespmem:s23+$0xFFFFFF30] =	vst v6  }
0x1b0: {  	v6 =	vld [tilespmem:s1+$0xFFFFFF40];
	_ =	sdelay $0x4  }
0x1b1: {  	v5 =	vld.idx.msk [tilespmem:v5+s24+$0x0], $0xffff  }
0x1b2: {  	v3 =	vld.idx.msk [tilespmem:v3+s24+$0x0], $0xffff  }
0x1b3: {  	v4 =	vld.idx.msk [tilespmem:v4+s24+$0x0], $0xffff  }
0x1b4: {  	v6 =	vld.idx.msk [tilespmem:v6+s24+$0x0], $0xffff;
	_ =	sdelay $0x1  }
0x1b5: {  	[tilespmem:s23+$0xC0] =	vst v5  }
0x1b6: {  	v5 =	vld [tilespmem:s1+$0xD0];
	[tilespmem:s23+$0xFFFFFFC0] =	vst v3  }
0x1b7: {  	[tilespmem:s30+$0x40] =	vst v4;
	v4 =	vld [tilespmem:s1+$0xFFFFFFD0]  }
0x1b8: {  	[tilespmem:s30+$0xFFFFFF40] =	vst v6;
	v6 =	vld [tilespmem:s1+$0x50]  }
0x1b9: {  	v3 =	vld [tilespmem:s1+$0xFFFFFF50];
	_ =	sdelay $0x4  }
0x1ba: {  	v5 =	vld.idx.msk [tilespmem:v5+s24+$0x0], $0xffff  }
0x1bb: {  	v4 =	vld.idx.msk [tilespmem:v4+s24+$0x0], $0xffff  }
0x1bc: {  	v6 =	vld.idx.msk [tilespmem:v6+s24+$0x0], $0xffff  }
0x1bd: {  	v3 =	vld.idx.msk [tilespmem:v3+s24+$0x0], $0xffff;
	_ =	sdelay $0x1  }
0x1be: {  	[tilespmem:s30+$0xD0] =	vst v5  }
0x1bf: {  	v5 =	vld [tilespmem:s1+$0xE0];
	[tilespmem:s30+$0xFFFFFFD0] =	vst v4  }
0x1c0: {  	v4 =	vld [tilespmem:s1+$0xFFFFFFE0];
	[tilespmem:s30+$0x50] =	vst v6  }
0x1c1: {  	[tilespmem:s30+$0xFFFFFF50] =	vst v3;
	v6 =	vld [tilespmem:s1+$0x60]  }
0x1c2: {  	v3 =	vld [tilespmem:s1+$0xFFFFFF60];
	_ =	sdelay $0x4  }
0x1c3: {  	v5 =	vld.idx.msk [tilespmem:v5+s24+$0x0], $0xffff  }
0x1c4: {  	v4 =	vld.idx.msk [tilespmem:v4+s24+$0x0], $0xffff  }
0x1c5: {  	v6 =	vld.idx.msk [tilespmem:v6+s24+$0x0], $0xffff  }
0x1c6: {  	v3 =	vld.idx.msk [tilespmem:v3+s24+$0x0], $0xffff;
	_ =	sdelay $0x1  }
0x1c7: {  	[tilespmem:s30+$0xE0] =	vst v5  }
0x1c8: {  	v5 =	vld [tilespmem:s1+$0xF0];
	[tilespmem:s30+$0xFFFFFFE0] =	vst v4  }
0x1c9: {  	v4 =	vld [tilespmem:s1+$0xFFFFFFF0];
	[tilespmem:s30+$0x60] =	vst v6  }
0x1ca: {  	[tilespmem:s30+$0xFFFFFF60] =	vst v3;
	v6 =	vld [tilespmem:s1+$0x70]  }
0x1cb: {  	v3 =	vld [tilespmem:s1+$0xFFFFFF70];
	_ =	sdelay $0x3  }
0x1cc: {  	v0 =	vld.idx.msk [tilespmem:v0+s24+$0x0], $0xffff  }
0x1cd: {  	v5 =	vld.idx.msk [tilespmem:v5+s24+$0x0], $0xffff  }
0x1ce: {  	[tilespmem:s2+$0xFFFFFF70] =	vst v1;
	v1 =	vld.idx.msk [tilespmem:v4+s24+$0x0], $0xffff  }
0x1cf: {  	[tilespmem:s2+$0xFFFFFFF0] =	vst v2;
	v2 =	vld.idx.msk [tilespmem:v6+s24+$0x0], $0xffff  }
0x1d0: {  	v3 =	vld.idx.msk [tilespmem:v3+s24+$0x0], $0xffff  }
0x1d1: {  	[tilespmem:s2+$0x70] =	vst v0  }
0x1d2: {  	[tilespmem:s30+$0xF0] =	vst v5  }
0x1d3: {  	[tilespmem:s30+$0xFFFFFFF0] =	vst v1  }
0x1d4: {  	[tilespmem:s30+$0x70] =	vst v2  }
0x1d5: {  	s5 =	simm.s32 $0x1DB70;
	[tilespmem:s30+$0xFFFFFF70] =	vst v3  }
0x1d6: {  	[hbm4b:s13+s20] =	stream.strided.scatter [tilespmem:s5], [sflag:$0x5], $0x1400, s21, s20, $0x38;
	[tilespmem:$0x1EF70] =	vst v63  }
0x1d7: {  	s23 =	simm.s32 $0x1B370  }
0x1d8: {  	[tilespmem:s23], [sflag:$0x3] =	stream.strided.gather [hbm4b:s14+s20], $0x1400, s21, s20, $0x38;
	[tilespmem:$0x1EF70] =	vst v63  }
0x1d9: {  	_ =	swait.ge [sflag:s26], $0x1400  }
0x1da: {  	[sflag:s26] =	ssyncset.done $0x0  }
0x1db: {  	[sflag:s26] =	ssyncadd.s32 $0xFFFFEC00  }
0x1dc: {  	_ =	swait.ge [sflag:s31], $0x1400  }
0x1dd: {  	[sflag:s31] =	ssyncset.done $0x0  }
0x1de: {  	s4 =	simm.s32 $0x1A070;
	[sflag:s31] =	ssyncadd.s32 $0xFFFFEC00  }
0x1df: {  	v0 =	vld [tilespmem:s4+$0x80]  }
0x1e0: {  	v1 =	vld [tilespmem:s4+$0xFFFFFF80]  }
0x1e1: {  	v2 =	vld [tilespmem:s4+$0x0];
	_ =	sdelay $0x2  }
0x1e2: {  	v3 =	vld [tilespmem:s4+$0xFFFFFF00];
	_ =	sdelay $0x2  }
0x1e3: {  	v0 =	vld.idx.msk [tilespmem:v0+s24+$0x0], $0xffff  }
0x1e4: {  	v1 =	vld.idx.msk [tilespmem:v1+s24+$0x0], $0xffff  }
0x1e5: {  	v2 =	vld.idx.msk [tilespmem:v2+s24+$0x0], $0xffff;
	_ =	sdelay $0x1  }
0x1e6: {  	s2 =	simm.s32 $0x1C870  }
0x1e7: {  	v3 =	vld.idx.msk [tilespmem:v3+s24+$0x0], $0xffff;
	[tilespmem:s2+$0x80] =	vst v0  }
0x1e8: {  	[tilespmem:s2+$0xFFFFFF80] =	vst v1;
	v0 =	vld [tilespmem:s4+$0x90]  }
0x1e9: {  	[tilespmem:s2+$0x0] =	vst v2;
	v1 =	vld [tilespmem:s4+$0xFFFFFF90]  }
0x1ea: {  	v2 =	vld [tilespmem:s4+$0x10];
	_ =	sdelay $0x1  }
0x1eb: {  	[tilespmem:s2+$0xFFFFFF00] =	vst v3  }
0x1ec: {  	v3 =	vld [tilespmem:s4+$0xFFFFFF10];
	_ =	sdelay $0x2  }
0x1ed: {  	v0 =	vld.idx.msk [tilespmem:v0+s24+$0x0], $0xffff  }
0x1ee: {  	v1 =	vld.idx.msk [tilespmem:v1+s24+$0x0], $0xffff  }
0x1ef: {  	v2 =	vld.idx.msk [tilespmem:v2+s24+$0x0], $0xffff;
	_ =	sdelay $0x2  }
0x1f0: {  	v3 =	vld.idx.msk [tilespmem:v3+s24+$0x0], $0xffff;
	[tilespmem:s2+$0x90] =	vst v0  }
0x1f1: {  	[tilespmem:s2+$0xFFFFFF90] =	vst v1;
	v0 =	vld [tilespmem:s4+$0xA0]  }
0x1f2: {  	[tilespmem:s2+$0x10] =	vst v2;
	v1 =	vld [tilespmem:s4+$0xFFFFFFA0]  }
0x1f3: {  	v2 =	vld [tilespmem:s4+$0x20];
	_ =	sdelay $0x1  }
0x1f4: {  	[tilespmem:s2+$0xFFFFFF10] =	vst v3  }
0x1f5: {  	v3 =	vld [tilespmem:s4+$0xFFFFFF20]  }
0x1f6: {  	s1 =	simm.s32 $0x1A270  }
0x1f7: {  	v4 =	vld [tilespmem:s1+$0x80]  }
0x1f8: {  	v0 =	vld.idx.msk [tilespmem:v0+s24+$0x0], $0xffff  }
0x1f9: {  	v1 =	vld.idx.msk [tilespmem:v1+s24+$0x0], $0xffff  }
0x1fa: {  	v2 =	vld.idx.msk [tilespmem:v2+s24+$0x0], $0xffff;
	_ =	sdelay $0x1  }
0x1fb: {  	v5 =	vld [tilespmem:s1+$0xFFFFFF80]  }
0x1fc: {  	v3 =	vld.idx.msk [tilespmem:v3+s24+$0x0], $0xffff;
	[tilespmem:s2+$0xA0] =	vst v0  }
0x1fd: {  	[tilespmem:s2+$0xFFFFFFA0] =	vst v1;
	v0 =	vld [tilespmem:s4+$0xB0]  }
0x1fe: {  	[tilespmem:s2+$0x20] =	vst v2;
	v1 =	vld [tilespmem:s4+$0xFFFFFFB0]  }
0x1ff: {  	v2 =	vld [tilespmem:s4+$0x30];
	_ =	sdelay $0x1  }
0x200: {  	v4 =	vld.idx.msk [tilespmem:v4+s24+$0x0], $0xffff;
	[tilespmem:s2+$0xFFFFFF20] =	vst v3  }
0x201: {  	v3 =	vld [tilespmem:s4+$0xFFFFFF30]  }
0x202: {  	v5 =	vld.idx.msk [tilespmem:v5+s24+$0x0], $0xffff  }
0x203: {  	v6 =	vld [tilespmem:s1+$0x0]  }
0x204: {  	v0 =	vld.idx.msk [tilespmem:v0+s24+$0x0], $0xffff  }
0x205: {  	s23 =	simm.s32 $0x1CA70;
	v1 =	vld.idx.msk [tilespmem:v1+s24+$0x0], $0xffff  }
0x206: {  	[tilespmem:s23+$0x80] =	vst v4;
	v2 =	vld.idx.msk [tilespmem:v2+s24+$0x0], $0xffff  }
0x207: {  	[tilespmem:s23+$0xFFFFFF80] =	vst v5;
	v4 =	vld [tilespmem:s1+$0x90]  }
0x208: {  	v5 =	vld [tilespmem:s1+$0xFFFFFF90]  }
0x209: {  	v3 =	vld.idx.msk [tilespmem:v3+s24+$0x0], $0xffff;
	[tilespmem:s2+$0xB0] =	vst v0  }
0x20a: {  	[tilespmem:s2+$0xFFFFFFB0] =	vst v1;
	v0 =	vld [tilespmem:s4+$0xC0]  }
0x20b: {  	[tilespmem:s2+$0x30] =	vst v2;
	v1 =	vld [tilespmem:s4+$0xFFFFFFC0]  }
0x20c: {  	v2 =	vld [tilespmem:s4+$0x40]  }
0x20d: {  	v7 =	vld [tilespmem:s1+$0xFFFFFF00]  }
0x20e: {  	v6 =	vld.idx.msk [tilespmem:v6+s24+$0x0], $0xffff  }
0x20f: {  	v4 =	vld.idx.msk [tilespmem:v4+s24+$0x0], $0xffff;
	[tilespmem:s2+$0xFFFFFF30] =	vst v3  }
0x210: {  	v3 =	vld [tilespmem:s4+$0xFFFFFF40]  }
0x211: {  	v5 =	vld.idx.msk [tilespmem:v5+s24+$0x0], $0xffff  }
0x212: {  	v0 =	vld.idx.msk [tilespmem:v0+s24+$0x0], $0xffff  }
0x213: {  	v1 =	vld.idx.msk [tilespmem:v1+s24+$0x0], $0xffff  }
0x214: {  	[tilespmem:s23+$0x0] =	vst v6;
	v2 =	vld.idx.msk [tilespmem:v2+s24+$0x0], $0xffff  }
0x215: {  	[tilespmem:s23+$0x90] =	vst v4  }
0x216: {  	v7 =	vld.idx.msk [tilespmem:v7+s24+$0x0], $0xffff;
	[tilespmem:s23+$0xFFFFFF90] =	vst v5  }
0x217: {  	v5 =	vld [tilespmem:s1+$0xA0];
	[tilespmem:s2+$0xC0] =	vst v0  }
0x218: {  	[tilespmem:s2+$0xFFFFFFC0] =	vst v1;
	v1 =	vld.idx.msk [tilespmem:v3+s24+$0x0], $0xffff  }
0x219: {  	[tilespmem:s2+$0x40] =	vst v2;
	v2 =	vld [tilespmem:s1+$0x10]  }
0x21a: {  	v0 =	vld [tilespmem:s4+$0xD0]  }
0x21b: {  	v3 =	vld [tilespmem:s4+$0xFFFFFFD0]  }
0x21c: {  	[tilespmem:s23+$0xFFFFFF00] =	vst v7;
	v6 =	vld [tilespmem:s4+$0x50]  }
0x21d: {  	[tilespmem:s2+$0xFFFFFF40] =	vst v1;
	v1 =	vld [tilespmem:s1+$0xFFFFFF10]  }
0x21e: {  	v7 =	vld [tilespmem:s4+$0xFFFFFF50];
	_ =	sdelay $0x1  }
0x21f: {  	v5 =	vld.idx.msk [tilespmem:v5+s24+$0x0], $0xffff  }
0x220: {  	v2 =	vld.idx.msk [tilespmem:v2+s24+$0x0], $0xffff  }
0x221: {  	v0 =	vld.idx.msk [tilespmem:v0+s24+$0x0], $0xffff  }
0x222: {  	v3 =	vld.idx.msk [tilespmem:v3+s24+$0x0], $0xffff  }
0x223: {  	v6 =	vld.idx.msk [tilespmem:v6+s24+$0x0], $0xffff  }
0x224: {  	v1 =	vld.idx.msk [tilespmem:v1+s24+$0x0], $0xffff  }
0x225: {  	v4 =	vld.idx.msk [tilespmem:v7+s24+$0x0], $0xffff  }
0x226: {  	[tilespmem:s23+$0x10] =	vst v2;
	v7 =	vld [tilespmem:s1+$0xFFFFFFA0]  }
0x227: {  	[tilespmem:s2+$0xD0] =	vst v0;
	v2 =	vld [tilespmem:s1+$0x20]  }
0x228: {  	[tilespmem:s2+$0xFFFFFFD0] =	vst v3;
	v0 =	vld [tilespmem:s4+$0xE0]  }
0x229: {  	v3 =	vld [tilespmem:s4+$0xFFFFFFE0];
	[tilespmem:s23+$0xFFFFFF10] =	vst v1  }
0x22a: {  	v1 =	vld [tilespmem:s1+$0xFFFFFF20];
	[tilespmem:s2+$0xFFFFFF50] =	vst v4  }
0x22b: {  	[tilespmem:s23+$0xA0] =	vst v5;
	v4 =	vld [tilespmem:s4+$0xFFFFFF60]  }
0x22c: {  	v5 =	vld [tilespmem:s1+$0xB0];
	[tilespmem:s2+$0x50] =	vst v6  }
0x22d: {  	v6 =	vld [tilespmem:s4+$0x60]  }
0x22e: {  	v7 =	vld.idx.msk [tilespmem:v7+s24+$0x0], $0xffff  }
0x22f: {  	v2 =	vld.idx.msk [tilespmem:v2+s24+$0x0], $0xffff  }
0x230: {  	v0 =	vld.idx.msk [tilespmem:v0+s24+$0x0], $0xffff  }
0x231: {  	v3 =	vld.idx.msk [tilespmem:v3+s24+$0x0], $0xffff  }
0x232: {  	v1 =	vld.idx.msk [tilespmem:v1+s24+$0x0], $0xffff  }
0x233: {  	[tilespmem:s23+$0xFFFFFFA0] =	vst v7;
	v4 =	vld.idx.msk [tilespmem:v4+s24+$0x0], $0xffff  }
0x234: {  	[tilespmem:s23+$0x20] =	vst v2;
	v7 =	vld [tilespmem:s1+$0xFFFFFFB0]  }
0x235: {  	[tilespmem:s2+$0xE0] =	vst v0;
	v2 =	vld [tilespmem:s1+$0x30]  }
0x236: {  	v0 =	vld [tilespmem:s4+$0xF0]  }
0x237: {  	v6 =	vld.idx.msk [tilespmem:v6+s24+$0x0], $0xffff;
	[tilespmem:s23+$0xFFFFFF20] =	vst v1  }
0x238: {  	[tilespmem:s2+$0xFFFFFFE0] =	vst v3;
	v1 =	vld [tilespmem:s1+$0xFFFFFF30]  }
0x239: {  	v3 =	vld.idx.msk [tilespmem:v5+s24+$0x0], $0xffff;
	[tilespmem:s2+$0xFFFFFF60] =	vst v4  }
0x23a: {  	v4 =	vld [tilespmem:s4+$0xFFFFFF70]  }
0x23b: {  	v9 =	vld [tilespmem:s4+$0xFFFFFFF0]  }
0x23c: {  	v5 =	vld.idx.msk [tilespmem:v7+s24+$0x0], $0xffff  }
0x23d: {  	v2 =	vld.idx.msk [tilespmem:v2+s24+$0x0], $0xffff  }
0x23e: {  	[tilespmem:s2+$0x60] =	vst v6;
	v8 =	vld.idx.msk [tilespmem:v0+s24+$0x0], $0xffff  }
0x23f: {  	v0 =	vld [tilespmem:s4+$0x70]  }
0x240: {  	[tilespmem:s23+$0xB0] =	vst v3;
	v6 =	vld.idx.msk [tilespmem:v1+s24+$0x0], $0xffff  }
0x241: {  	[tilespmem:s23+$0xFFFFFFB0] =	vst v5;
	v5 =	vld [tilespmem:s1+$0xC0]  }
0x242: {  	v1 =	vld.idx.msk [tilespmem:v4+s24+$0x0], $0xffff  }
0x243: {  	[tilespmem:s23+$0x30] =	vst v2;
	v2 =	vld.idx.msk [tilespmem:v9+s24+$0x0], $0xffff  }
0x244: {  	v3 =	vld [tilespmem:s1+$0xFFFFFFC0]  }
0x245: {  	s30 =	simm.s32 $0x1CA70;
	s5 =	simm.s32 $0x1A470;
	s4 =	simm.s32 $0x4;
	v4 =	vld [tilespmem:s1+$0x40];
	[tilespmem:s2+$0xF0] =	vst v8  }
.LBB2_6:
0x246: {  	v7 =	vld [tilespmem:s5+$0x80];
	s4 =	sadd.s32 $0x4, s4;
	[tilespmem:s23+$0xFFFFFF30] =	vst v6  }
0x247: {  	v6 =	vld [tilespmem:s5+$0xFFFFFF80];
	p1 =	slt.u32 s4, $0x24;
	[tilespmem:s2+$0xFFFFFF70] =	vst v1  }
0x248: {  	v1 =	vld [tilespmem:s5+$0x0]  }
0x249: {  	v8 =	vld [tilespmem:s5+$0xFFFFFF00]  }
0x24a: {  	v5 =	vld.idx.msk [tilespmem:v5+s24+$0x0], $0xffff  }
0x24b: {  	v9 =	vld [tilespmem:s1+$0xFFFFFF40];
	[tilespmem:s2+$0xFFFFFFF0] =	vst v2  }
0x24c: {  	v2 =	vld.idx.msk [tilespmem:v3+s24+$0x0], $0xffff  }
0x24d: {  	v3 =	vld.idx.msk [tilespmem:v4+s24+$0x0], $0xffff  }
0x24e: {  	v4 =	vld.idx.msk [tilespmem:v7+s24+$0x0], $0xffff  }
0x24f: {  	v6 =	vld.idx.msk [tilespmem:v6+s24+$0x0], $0xffff  }
0x250: {  	v1 =	vld.idx.msk [tilespmem:v1+s24+$0x0], $0xffff;
	[tilespmem:s23+$0xC0] =	vst v5  }
0x251: {  	v5 =	vld [tilespmem:s1+$0xD0]  }
0x252: {  	v7 =	vld.idx.msk [tilespmem:v8+s24+$0x0], $0xffff;
	[tilespmem:s23+$0xFFFFFFC0] =	vst v2  }
0x253: {  	s23 =	sadd.s32 $0x200, s23;
	v2 =	vld.idx.msk [tilespmem:v9+s24+$0x0], $0xffff;
	[tilespmem:s30+$0x40] =	vst v3  }
0x254: {  	[tilespmem:s23+$0x80] =	vst v4;
	v3 =	vld [tilespmem:s1+$0xFFFFFFD0]  }
0x255: {  	[tilespmem:s23+$0xFFFFFF80] =	vst v6;
	v4 =	vld [tilespmem:s5+$0x90]  }
0x256: {  	v6 =	vld [tilespmem:s5+$0xFFFFFF90];
	[tilespmem:s23+$0x0] =	vst v1  }
0x257: {  	v1 =	vld [tilespmem:s5+$0x10]  }
0x258: {  	[tilespmem:s23+$0xFFFFFF00] =	vst v7;
	v7 =	vld [tilespmem:s1+$0x50]  }
0x259: {  	[tilespmem:s30+$0xFFFFFF40] =	vst v2;
	v2 =	vld.idx.msk [tilespmem:v5+s24+$0x0], $0xffff  }
0x25a: {  	v5 =	vld [tilespmem:s5+$0xFFFFFF10]  }
0x25b: {  	v8 =	vld [tilespmem:s1+$0xFFFFFF50]  }
0x25c: {  	v3 =	vld.idx.msk [tilespmem:v3+s24+$0x0], $0xffff  }
0x25d: {  	v4 =	vld.idx.msk [tilespmem:v4+s24+$0x0], $0xffff  }
0x25e: {  	v6 =	vld.idx.msk [tilespmem:v6+s24+$0x0], $0xffff  }
0x25f: {  	v1 =	vld.idx.msk [tilespmem:v1+s24+$0x0], $0xffff;
	[tilespmem:s30+$0xD0] =	vst v2  }
0x260: {  	v2 =	vld [tilespmem:s1+$0xE0]  }
0x261: {  	v7 =	vld.idx.msk [tilespmem:v7+s24+$0x0], $0xffff  }
0x262: {  	v5 =	vld.idx.msk [tilespmem:v5+s24+$0x0], $0xffff;
	[tilespmem:s30+$0xFFFFFFD0] =	vst v3  }
0x263: {  	[tilespmem:s23+$0x90] =	vst v4;
	v3 =	vld.idx.msk [tilespmem:v8+s24+$0x0], $0xffff  }
0x264: {  	[tilespmem:s23+$0xFFFFFF90] =	vst v6;
	v4 =	vld [tilespmem:s5+$0xA0]  }
0x265: {  	v6 =	vld [tilespmem:s5+$0xFFFFFFA0];
	[tilespmem:s23+$0x10] =	vst v1  }
0x266: {  	v1 =	vld [tilespmem:s5+$0x20]  }
0x267: {  	v8 =	vld [tilespmem:s1+$0xFFFFFFE0];
	[tilespmem:s30+$0x50] =	vst v7  }
0x268: {  	[tilespmem:s23+$0xFFFFFF10] =	vst v5;
	v2 =	vld.idx.msk [tilespmem:v2+s24+$0x0], $0xffff  }
0x269: {  	v5 =	vld [tilespmem:s5+$0xFFFFFF20];
	[tilespmem:s30+$0xFFFFFF50] =	vst v3  }
0x26a: {  	v3 =	vld [tilespmem:s1+$0xFFFFFF60]  }
0x26b: {  	v7 =	vld [tilespmem:s1+$0x60]  }
0x26c: {  	v4 =	vld.idx.msk [tilespmem:v4+s24+$0x0], $0xffff  }
0x26d: {  	v6 =	vld.idx.msk [tilespmem:v6+s24+$0x0], $0xffff  }
0x26e: {  	v1 =	vld.idx.msk [tilespmem:v1+s24+$0x0], $0xffff;
	[tilespmem:s30+$0xE0] =	vst v2  }
0x26f: {  	v2 =	vld [tilespmem:s1+$0xF0]  }
0x270: {  	v8 =	vld.idx.msk [tilespmem:v8+s24+$0x0], $0xffff  }
0x271: {  	v5 =	vld.idx.msk [tilespmem:v5+s24+$0x0], $0xffff  }
0x272: {  	[tilespmem:s23+$0xA0] =	vst v4;
	v3 =	vld.idx.msk [tilespmem:v3+s24+$0x0], $0xffff  }
0x273: {  	[tilespmem:s23+$0xFFFFFFA0] =	vst v6;
	v4 =	vld [tilespmem:s5+$0xB0]  }
0x274: {  	v6 =	vld [tilespmem:s5+$0xFFFFFFB0];
	[tilespmem:s23+$0x20] =	vst v1  }
0x275: {  	v1 =	vld [tilespmem:s5+$0x30]  }
0x276: {  	[tilespmem:s30+$0xFFFFFFE0] =	vst v8;
	v7 =	vld.idx.msk [tilespmem:v7+s24+$0x0], $0xffff  }
0x277: {  	[tilespmem:s23+$0xFFFFFF20] =	vst v5;
	v2 =	vld.idx.msk [tilespmem:v2+s24+$0x0], $0xffff  }
0x278: {  	v5 =	vld [tilespmem:s5+$0xFFFFFF30];
	[tilespmem:s30+$0xFFFFFF60] =	vst v3  }
0x279: {  	v3 =	vld [tilespmem:s1+$0xFFFFFF70]  }
0x27a: {  	v8 =	vld [tilespmem:s1+$0xFFFFFFF0]  }
0x27b: {  	v4 =	vld.idx.msk [tilespmem:v4+s24+$0x0], $0xffff  }
0x27c: {  	v9 =	vld.idx.msk [tilespmem:v6+s24+$0x0], $0xffff;
	[tilespmem:s30+$0x60] =	vst v7  }
0x27d: {  	v7 =	vld.idx.msk [tilespmem:v1+s24+$0x0], $0xffff;
	[tilespmem:s30+$0xF0] =	vst v2  }
0x27e: {  	v2 =	vld [tilespmem:s1+$0x70];
	s1 =	smov.u32 s5  }
0x27f: {  	v10 =	vld.idx.msk [tilespmem:v0+s24+$0x0], $0xffff  }
0x280: {  	v6 =	vld.idx.msk [tilespmem:v5+s24+$0x0], $0xffff  }
.Ltmp2:
0x281: {  	[tilespmem:s23+$0xB0] =	vst v4;
	v1 =	vld.idx.msk [tilespmem:v3+s24+$0x0], $0xffff;
	(pc) =	sbr.rel @p1 .LBB2_6-.Ltmp2, $4  }
0x282: {  	[tilespmem:s23+$0xFFFFFFB0] =	vst v9;
	v5 =	vld [tilespmem:s5+$0xC0]  }
0x283: {  	v3 =	vld [tilespmem:s5+$0xFFFFFFC0];
	[tilespmem:s23+$0x30] =	vst v7;
	v0 =	vmov v2  }
0x284: {  	v4 =	vld [tilespmem:s5+$0x40]  }
0x285: {  	s5 =	sadd.s32 $0x200, s5;
	v2 =	vld.idx.msk [tilespmem:v8+s24+$0x0], $0xffff;
	[tilespmem:s2+$0x70] =	vst v10;
	s2 =	smov.u32 s30;
	s30 =	smov.u32 s23  }
0x286: {  	[tilespmem:s23+$0xFFFFFF30] =	vst v6  }
0x287: {  	v6 =	vld [tilespmem:s1+$0xFFFFFF40];
	_ =	sdelay $0x4  }
0x288: {  	v5 =	vld.idx.msk [tilespmem:v5+s24+$0x0], $0xffff  }
0x289: {  	v3 =	vld.idx.msk [tilespmem:v3+s24+$0x0], $0xffff  }
0x28a: {  	v4 =	vld.idx.msk [tilespmem:v4+s24+$0x0], $0xffff  }
0x28b: {  	v6 =	vld.idx.msk [tilespmem:v6+s24+$0x0], $0xffff;
	_ =	sdelay $0x1  }
0x28c: {  	[tilespmem:s23+$0xC0] =	vst v5  }
0x28d: {  	v5 =	vld [tilespmem:s1+$0xD0];
	[tilespmem:s23+$0xFFFFFFC0] =	vst v3  }
0x28e: {  	[tilespmem:s30+$0x40] =	vst v4;
	v4 =	vld [tilespmem:s1+$0xFFFFFFD0]  }
0x28f: {  	[tilespmem:s30+$0xFFFFFF40] =	vst v6;
	v6 =	vld [tilespmem:s1+$0x50]  }
0x290: {  	v3 =	vld [tilespmem:s1+$0xFFFFFF50];
	_ =	sdelay $0x4  }
0x291: {  	v5 =	vld.idx.msk [tilespmem:v5+s24+$0x0], $0xffff  }
0x292: {  	v4 =	vld.idx.msk [tilespmem:v4+s24+$0x0], $0xffff  }
0x293: {  	v6 =	vld.idx.msk [tilespmem:v6+s24+$0x0], $0xffff  }
0x294: {  	v3 =	vld.idx.msk [tilespmem:v3+s24+$0x0], $0xffff;
	_ =	sdelay $0x1  }
0x295: {  	[tilespmem:s30+$0xD0] =	vst v5  }
0x296: {  	v5 =	vld [tilespmem:s1+$0xE0];
	[tilespmem:s30+$0xFFFFFFD0] =	vst v4  }
0x297: {  	v4 =	vld [tilespmem:s1+$0xFFFFFFE0];
	[tilespmem:s30+$0x50] =	vst v6  }
0x298: {  	[tilespmem:s30+$0xFFFFFF50] =	vst v3;
	v6 =	vld [tilespmem:s1+$0x60]  }
0x299: {  	v3 =	vld [tilespmem:s1+$0xFFFFFF60];
	_ =	sdelay $0x4  }
0x29a: {  	v5 =	vld.idx.msk [tilespmem:v5+s24+$0x0], $0xffff  }
0x29b: {  	v4 =	vld.idx.msk [tilespmem:v4+s24+$0x0], $0xffff  }
0x29c: {  	v6 =	vld.idx.msk [tilespmem:v6+s24+$0x0], $0xffff  }
0x29d: {  	v3 =	vld.idx.msk [tilespmem:v3+s24+$0x0], $0xffff;
	_ =	sdelay $0x1  }
0x29e: {  	[tilespmem:s30+$0xE0] =	vst v5  }
0x29f: {  	v5 =	vld [tilespmem:s1+$0xF0];
	[tilespmem:s30+$0xFFFFFFE0] =	vst v4  }
0x2a0: {  	v4 =	vld [tilespmem:s1+$0xFFFFFFF0];
	[tilespmem:s30+$0x60] =	vst v6  }
0x2a1: {  	[tilespmem:s30+$0xFFFFFF60] =	vst v3;
	v6 =	vld [tilespmem:s1+$0x70]  }
0x2a2: {  	v3 =	vld [tilespmem:s1+$0xFFFFFF70];
	_ =	sdelay $0x3  }
0x2a3: {  	v0 =	vld.idx.msk [tilespmem:v0+s24+$0x0], $0xffff  }
0x2a4: {  	v5 =	vld.idx.msk [tilespmem:v5+s24+$0x0], $0xffff  }
0x2a5: {  	[tilespmem:s2+$0xFFFFFF70] =	vst v1;
	v1 =	vld.idx.msk [tilespmem:v4+s24+$0x0], $0xffff  }
0x2a6: {  	[tilespmem:s2+$0xFFFFFFF0] =	vst v2;
	v2 =	vld.idx.msk [tilespmem:v6+s24+$0x0], $0xffff  }
0x2a7: {  	v3 =	vld.idx.msk [tilespmem:v3+s24+$0x0], $0xffff  }
0x2a8: {  	[tilespmem:s2+$0x70] =	vst v0  }
0x2a9: {  	[tilespmem:s30+$0xF0] =	vst v5  }
0x2aa: {  	[tilespmem:s30+$0xFFFFFFF0] =	vst v1  }
0x2ab: {  	[tilespmem:s30+$0x70] =	vst v2  }
0x2ac: {  	[tilespmem:s30+$0xFFFFFF70] =	vst v3  }
0x2ad: {  	[hbm4b:s15+s20] =	stream.strided.scatter [tilespmem:s28], [sflag:$0x4], $0x1400, s21, s20, $0x38;
	[tilespmem:$0x1EF70] =	vst v63  }
0x2ae: {  	_ = 	snop  }
0x2af: {  	[tilespmem:s22], [sflag:$0x2] =	stream.strided.gather [hbm4b:s16+s20], $0x1400, s21, s20, $0x38;
	[tilespmem:$0x1EF70] =	vst v63  }
0x2b0: {  	_ =	swait.ge [sflag:s29], $0x1400  }
0x2b1: {  	[sflag:s29] =	ssyncset.done $0x0  }
0x2b2: {  	[sflag:s29] =	ssyncadd.s32 $0xFFFFEC00  }
0x2b3: {  	_ =	swait.ge [sflag:s0], $0x1400  }
0x2b4: {  	[sflag:s0] =	ssyncset.done $0x0  }
0x2b5: {  	s4 =	simm.s32 $0x1B470;
	[sflag:s0] =	ssyncadd.s32 $0xFFFFEC00  }
0x2b6: {  	v0 =	vld [tilespmem:s4+$0x80]  }
0x2b7: {  	v1 =	vld [tilespmem:s4+$0xFFFFFF80]  }
0x2b8: {  	v2 =	vld [tilespmem:s4+$0x0];
	_ =	sdelay $0x2  }
0x2b9: {  	v3 =	vld [tilespmem:s4+$0xFFFFFF00];
	_ =	sdelay $0x2  }
0x2ba: {  	v0 =	vld.idx.msk [tilespmem:v0+s24+$0x0], $0xffff  }
0x2bb: {  	v1 =	vld.idx.msk [tilespmem:v1+s24+$0x0], $0xffff  }
0x2bc: {  	v2 =	vld.idx.msk [tilespmem:v2+s24+$0x0], $0xffff;
	_ =	sdelay $0x1  }
0x2bd: {  	s2 =	simm.s32 $0x1DC70  }
0x2be: {  	v3 =	vld.idx.msk [tilespmem:v3+s24+$0x0], $0xffff;
	[tilespmem:s2+$0x80] =	vst v0  }
0x2bf: {  	[tilespmem:s2+$0xFFFFFF80] =	vst v1;
	v0 =	vld [tilespmem:s4+$0x90]  }
0x2c0: {  	[tilespmem:s2+$0x0] =	vst v2;
	v1 =	vld [tilespmem:s4+$0xFFFFFF90]  }
0x2c1: {  	v2 =	vld [tilespmem:s4+$0x10];
	_ =	sdelay $0x1  }
0x2c2: {  	[tilespmem:s2+$0xFFFFFF00] =	vst v3  }
0x2c3: {  	v3 =	vld [tilespmem:s4+$0xFFFFFF10];
	_ =	sdelay $0x2  }
0x2c4: {  	v0 =	vld.idx.msk [tilespmem:v0+s24+$0x0], $0xffff  }
0x2c5: {  	v1 =	vld.idx.msk [tilespmem:v1+s24+$0x0], $0xffff  }
0x2c6: {  	v2 =	vld.idx.msk [tilespmem:v2+s24+$0x0], $0xffff;
	_ =	sdelay $0x2  }
0x2c7: {  	v3 =	vld.idx.msk [tilespmem:v3+s24+$0x0], $0xffff;
	[tilespmem:s2+$0x90] =	vst v0  }
0x2c8: {  	[tilespmem:s2+$0xFFFFFF90] =	vst v1;
	v0 =	vld [tilespmem:s4+$0xA0]  }
0x2c9: {  	[tilespmem:s2+$0x10] =	vst v2;
	v1 =	vld [tilespmem:s4+$0xFFFFFFA0]  }
0x2ca: {  	v2 =	vld [tilespmem:s4+$0x20];
	_ =	sdelay $0x1  }
0x2cb: {  	[tilespmem:s2+$0xFFFFFF10] =	vst v3  }
0x2cc: {  	v3 =	vld [tilespmem:s4+$0xFFFFFF20]  }
0x2cd: {  	s1 =	simm.s32 $0x1B670  }
0x2ce: {  	v4 =	vld [tilespmem:s1+$0x80]  }
0x2cf: {  	v0 =	vld.idx.msk [tilespmem:v0+s24+$0x0], $0xffff  }
0x2d0: {  	v1 =	vld.idx.msk [tilespmem:v1+s24+$0x0], $0xffff  }
0x2d1: {  	v2 =	vld.idx.msk [tilespmem:v2+s24+$0x0], $0xffff;
	_ =	sdelay $0x1  }
0x2d2: {  	v5 =	vld [tilespmem:s1+$0xFFFFFF80]  }
0x2d3: {  	v3 =	vld.idx.msk [tilespmem:v3+s24+$0x0], $0xffff;
	[tilespmem:s2+$0xA0] =	vst v0  }
0x2d4: {  	[tilespmem:s2+$0xFFFFFFA0] =	vst v1;
	v0 =	vld [tilespmem:s4+$0xB0]  }
0x2d5: {  	[tilespmem:s2+$0x20] =	vst v2;
	v1 =	vld [tilespmem:s4+$0xFFFFFFB0]  }
0x2d6: {  	v2 =	vld [tilespmem:s4+$0x30];
	_ =	sdelay $0x1  }
0x2d7: {  	v4 =	vld.idx.msk [tilespmem:v4+s24+$0x0], $0xffff;
	[tilespmem:s2+$0xFFFFFF20] =	vst v3  }
0x2d8: {  	v3 =	vld [tilespmem:s4+$0xFFFFFF30]  }
0x2d9: {  	v5 =	vld.idx.msk [tilespmem:v5+s24+$0x0], $0xffff  }
0x2da: {  	v6 =	vld [tilespmem:s1+$0x0]  }
0x2db: {  	v0 =	vld.idx.msk [tilespmem:v0+s24+$0x0], $0xffff  }
0x2dc: {  	s23 =	simm.s32 $0x1DE70;
	v1 =	vld.idx.msk [tilespmem:v1+s24+$0x0], $0xffff  }
0x2dd: {  	[tilespmem:s23+$0x80] =	vst v4;
	v2 =	vld.idx.msk [tilespmem:v2+s24+$0x0], $0xffff  }
0x2de: {  	[tilespmem:s23+$0xFFFFFF80] =	vst v5;
	v4 =	vld [tilespmem:s1+$0x90]  }
0x2df: {  	v5 =	vld [tilespmem:s1+$0xFFFFFF90]  }
0x2e0: {  	v3 =	vld.idx.msk [tilespmem:v3+s24+$0x0], $0xffff;
	[tilespmem:s2+$0xB0] =	vst v0  }
0x2e1: {  	[tilespmem:s2+$0xFFFFFFB0] =	vst v1;
	v0 =	vld [tilespmem:s4+$0xC0]  }
0x2e2: {  	[tilespmem:s2+$0x30] =	vst v2;
	v1 =	vld [tilespmem:s4+$0xFFFFFFC0]  }
0x2e3: {  	v2 =	vld [tilespmem:s4+$0x40]  }
0x2e4: {  	v7 =	vld [tilespmem:s1+$0xFFFFFF00]  }
0x2e5: {  	v6 =	vld.idx.msk [tilespmem:v6+s24+$0x0], $0xffff  }
0x2e6: {  	v4 =	vld.idx.msk [tilespmem:v4+s24+$0x0], $0xffff;
	[tilespmem:s2+$0xFFFFFF30] =	vst v3  }
0x2e7: {  	v3 =	vld [tilespmem:s4+$0xFFFFFF40]  }
0x2e8: {  	v5 =	vld.idx.msk [tilespmem:v5+s24+$0x0], $0xffff  }
0x2e9: {  	v0 =	vld.idx.msk [tilespmem:v0+s24+$0x0], $0xffff  }
0x2ea: {  	v1 =	vld.idx.msk [tilespmem:v1+s24+$0x0], $0xffff  }
0x2eb: {  	[tilespmem:s23+$0x0] =	vst v6;
	v2 =	vld.idx.msk [tilespmem:v2+s24+$0x0], $0xffff  }
0x2ec: {  	[tilespmem:s23+$0x90] =	vst v4  }
0x2ed: {  	v7 =	vld.idx.msk [tilespmem:v7+s24+$0x0], $0xffff;
	[tilespmem:s23+$0xFFFFFF90] =	vst v5  }
0x2ee: {  	v5 =	vld [tilespmem:s1+$0xA0];
	[tilespmem:s2+$0xC0] =	vst v0  }
0x2ef: {  	[tilespmem:s2+$0xFFFFFFC0] =	vst v1;
	v1 =	vld.idx.msk [tilespmem:v3+s24+$0x0], $0xffff  }
0x2f0: {  	[tilespmem:s2+$0x40] =	vst v2;
	v2 =	vld [tilespmem:s1+$0x10]  }
0x2f1: {  	v0 =	vld [tilespmem:s4+$0xD0]  }
0x2f2: {  	v3 =	vld [tilespmem:s4+$0xFFFFFFD0]  }
0x2f3: {  	[tilespmem:s23+$0xFFFFFF00] =	vst v7;
	v6 =	vld [tilespmem:s4+$0x50]  }
0x2f4: {  	[tilespmem:s2+$0xFFFFFF40] =	vst v1;
	v1 =	vld [tilespmem:s1+$0xFFFFFF10]  }
0x2f5: {  	v7 =	vld [tilespmem:s4+$0xFFFFFF50];
	_ =	sdelay $0x1  }
0x2f6: {  	v5 =	vld.idx.msk [tilespmem:v5+s24+$0x0], $0xffff  }
0x2f7: {  	v2 =	vld.idx.msk [tilespmem:v2+s24+$0x0], $0xffff  }
0x2f8: {  	v0 =	vld.idx.msk [tilespmem:v0+s24+$0x0], $0xffff  }
0x2f9: {  	v3 =	vld.idx.msk [tilespmem:v3+s24+$0x0], $0xffff  }
0x2fa: {  	v6 =	vld.idx.msk [tilespmem:v6+s24+$0x0], $0xffff  }
0x2fb: {  	v1 =	vld.idx.msk [tilespmem:v1+s24+$0x0], $0xffff  }
0x2fc: {  	v4 =	vld.idx.msk [tilespmem:v7+s24+$0x0], $0xffff  }
0x2fd: {  	[tilespmem:s23+$0x10] =	vst v2;
	v7 =	vld [tilespmem:s1+$0xFFFFFFA0]  }
0x2fe: {  	[tilespmem:s2+$0xD0] =	vst v0;
	v2 =	vld [tilespmem:s1+$0x20]  }
0x2ff: {  	[tilespmem:s2+$0xFFFFFFD0] =	vst v3;
	v0 =	vld [tilespmem:s4+$0xE0]  }
0x300: {  	v3 =	vld [tilespmem:s4+$0xFFFFFFE0];
	[tilespmem:s23+$0xFFFFFF10] =	vst v1  }
0x301: {  	v1 =	vld [tilespmem:s1+$0xFFFFFF20];
	[tilespmem:s2+$0xFFFFFF50] =	vst v4  }
0x302: {  	[tilespmem:s23+$0xA0] =	vst v5;
	v4 =	vld [tilespmem:s4+$0xFFFFFF60]  }
0x303: {  	v5 =	vld [tilespmem:s1+$0xB0];
	[tilespmem:s2+$0x50] =	vst v6  }
0x304: {  	v6 =	vld [tilespmem:s4+$0x60]  }
0x305: {  	v7 =	vld.idx.msk [tilespmem:v7+s24+$0x0], $0xffff  }
0x306: {  	v2 =	vld.idx.msk [tilespmem:v2+s24+$0x0], $0xffff  }
0x307: {  	v0 =	vld.idx.msk [tilespmem:v0+s24+$0x0], $0xffff  }
0x308: {  	v3 =	vld.idx.msk [tilespmem:v3+s24+$0x0], $0xffff  }
0x309: {  	v1 =	vld.idx.msk [tilespmem:v1+s24+$0x0], $0xffff  }
0x30a: {  	[tilespmem:s23+$0xFFFFFFA0] =	vst v7;
	v4 =	vld.idx.msk [tilespmem:v4+s24+$0x0], $0xffff  }
0x30b: {  	[tilespmem:s23+$0x20] =	vst v2;
	v7 =	vld [tilespmem:s1+$0xFFFFFFB0]  }
0x30c: {  	[tilespmem:s2+$0xE0] =	vst v0;
	v2 =	vld [tilespmem:s1+$0x30]  }
0x30d: {  	v0 =	vld [tilespmem:s4+$0xF0]  }
0x30e: {  	v6 =	vld.idx.msk [tilespmem:v6+s24+$0x0], $0xffff;
	[tilespmem:s23+$0xFFFFFF20] =	vst v1  }
0x30f: {  	[tilespmem:s2+$0xFFFFFFE0] =	vst v3;
	v1 =	vld [tilespmem:s1+$0xFFFFFF30]  }
0x310: {  	v3 =	vld.idx.msk [tilespmem:v5+s24+$0x0], $0xffff;
	[tilespmem:s2+$0xFFFFFF60] =	vst v4  }
0x311: {  	v4 =	vld [tilespmem:s4+$0xFFFFFF70]  }
0x312: {  	v9 =	vld [tilespmem:s4+$0xFFFFFFF0]  }
0x313: {  	v5 =	vld.idx.msk [tilespmem:v7+s24+$0x0], $0xffff  }
0x314: {  	v2 =	vld.idx.msk [tilespmem:v2+s24+$0x0], $0xffff  }
0x315: {  	[tilespmem:s2+$0x60] =	vst v6;
	v8 =	vld.idx.msk [tilespmem:v0+s24+$0x0], $0xffff  }
0x316: {  	v0 =	vld [tilespmem:s4+$0x70]  }
0x317: {  	[tilespmem:s23+$0xB0] =	vst v3;
	v6 =	vld.idx.msk [tilespmem:v1+s24+$0x0], $0xffff  }
0x318: {  	[tilespmem:s23+$0xFFFFFFB0] =	vst v5;
	v5 =	vld [tilespmem:s1+$0xC0]  }
0x319: {  	v1 =	vld.idx.msk [tilespmem:v4+s24+$0x0], $0xffff  }
0x31a: {  	[tilespmem:s23+$0x30] =	vst v2;
	v2 =	vld.idx.msk [tilespmem:v9+s24+$0x0], $0xffff  }
0x31b: {  	v3 =	vld [tilespmem:s1+$0xFFFFFFC0]  }
0x31c: {  	s5 =	simm.s32 $0x1B870;
	s30 =	simm.s32 $0x1DE70;
	s4 =	simm.s32 $0x4;
	v4 =	vld [tilespmem:s1+$0x40];
	[tilespmem:s2+$0xF0] =	vst v8  }
.LBB2_8:
0x31d: {  	v7 =	vld [tilespmem:s5+$0x80];
	s4 =	sadd.s32 $0x4, s4;
	[tilespmem:s23+$0xFFFFFF30] =	vst v6  }
0x31e: {  	v6 =	vld [tilespmem:s5+$0xFFFFFF80];
	p1 =	slt.u32 s4, $0x24;
	[tilespmem:s2+$0xFFFFFF70] =	vst v1  }
0x31f: {  	v1 =	vld [tilespmem:s5+$0x0]  }
0x320: {  	v8 =	vld [tilespmem:s5+$0xFFFFFF00]  }
0x321: {  	v5 =	vld.idx.msk [tilespmem:v5+s24+$0x0], $0xffff  }
0x322: {  	v9 =	vld [tilespmem:s1+$0xFFFFFF40];
	[tilespmem:s2+$0xFFFFFFF0] =	vst v2  }
0x323: {  	v2 =	vld.idx.msk [tilespmem:v3+s24+$0x0], $0xffff  }
0x324: {  	v3 =	vld.idx.msk [tilespmem:v4+s24+$0x0], $0xffff  }
0x325: {  	v4 =	vld.idx.msk [tilespmem:v7+s24+$0x0], $0xffff  }
0x326: {  	v6 =	vld.idx.msk [tilespmem:v6+s24+$0x0], $0xffff  }
0x327: {  	v1 =	vld.idx.msk [tilespmem:v1+s24+$0x0], $0xffff;
	[tilespmem:s23+$0xC0] =	vst v5  }
0x328: {  	v5 =	vld [tilespmem:s1+$0xD0]  }
0x329: {  	v7 =	vld.idx.msk [tilespmem:v8+s24+$0x0], $0xffff;
	[tilespmem:s23+$0xFFFFFFC0] =	vst v2  }
0x32a: {  	s23 =	sadd.s32 $0x200, s23;
	v2 =	vld.idx.msk [tilespmem:v9+s24+$0x0], $0xffff;
	[tilespmem:s30+$0x40] =	vst v3  }
0x32b: {  	[tilespmem:s23+$0x80] =	vst v4;
	v3 =	vld [tilespmem:s1+$0xFFFFFFD0]  }
0x32c: {  	[tilespmem:s23+$0xFFFFFF80] =	vst v6;
	v4 =	vld [tilespmem:s5+$0x90]  }
0x32d: {  	v6 =	vld [tilespmem:s5+$0xFFFFFF90];
	[tilespmem:s23+$0x0] =	vst v1  }
0x32e: {  	v1 =	vld [tilespmem:s5+$0x10]  }
0x32f: {  	[tilespmem:s23+$0xFFFFFF00] =	vst v7;
	v7 =	vld [tilespmem:s1+$0x50]  }
0x330: {  	[tilespmem:s30+$0xFFFFFF40] =	vst v2;
	v2 =	vld.idx.msk [tilespmem:v5+s24+$0x0], $0xffff  }
0x331: {  	v5 =	vld [tilespmem:s5+$0xFFFFFF10]  }
0x332: {  	v8 =	vld [tilespmem:s1+$0xFFFFFF50]  }
0x333: {  	v3 =	vld.idx.msk [tilespmem:v3+s24+$0x0], $0xffff  }
0x334: {  	v4 =	vld.idx.msk [tilespmem:v4+s24+$0x0], $0xffff  }
0x335: {  	v6 =	vld.idx.msk [tilespmem:v6+s24+$0x0], $0xffff  }
0x336: {  	v1 =	vld.idx.msk [tilespmem:v1+s24+$0x0], $0xffff;
	[tilespmem:s30+$0xD0] =	vst v2  }
0x337: {  	v2 =	vld [tilespmem:s1+$0xE0]  }
0x338: {  	v7 =	vld.idx.msk [tilespmem:v7+s24+$0x0], $0xffff  }
0x339: {  	v5 =	vld.idx.msk [tilespmem:v5+s24+$0x0], $0xffff;
	[tilespmem:s30+$0xFFFFFFD0] =	vst v3  }
0x33a: {  	[tilespmem:s23+$0x90] =	vst v4;
	v3 =	vld.idx.msk [tilespmem:v8+s24+$0x0], $0xffff  }
0x33b: {  	[tilespmem:s23+$0xFFFFFF90] =	vst v6;
	v4 =	vld [tilespmem:s5+$0xA0]  }
0x33c: {  	v6 =	vld [tilespmem:s5+$0xFFFFFFA0];
	[tilespmem:s23+$0x10] =	vst v1  }
0x33d: {  	v1 =	vld [tilespmem:s5+$0x20]  }
0x33e: {  	v8 =	vld [tilespmem:s1+$0xFFFFFFE0];
	[tilespmem:s30+$0x50] =	vst v7  }
0x33f: {  	[tilespmem:s23+$0xFFFFFF10] =	vst v5;
	v2 =	vld.idx.msk [tilespmem:v2+s24+$0x0], $0xffff  }
0x340: {  	v5 =	vld [tilespmem:s5+$0xFFFFFF20];
	[tilespmem:s30+$0xFFFFFF50] =	vst v3  }
0x341: {  	v3 =	vld [tilespmem:s1+$0xFFFFFF60]  }
0x342: {  	v7 =	vld [tilespmem:s1+$0x60]  }
0x343: {  	v4 =	vld.idx.msk [tilespmem:v4+s24+$0x0], $0xffff  }
0x344: {  	v6 =	vld.idx.msk [tilespmem:v6+s24+$0x0], $0xffff  }
0x345: {  	v1 =	vld.idx.msk [tilespmem:v1+s24+$0x0], $0xffff;
	[tilespmem:s30+$0xE0] =	vst v2  }
0x346: {  	v2 =	vld [tilespmem:s1+$0xF0]  }
0x347: {  	v8 =	vld.idx.msk [tilespmem:v8+s24+$0x0], $0xffff  }
0x348: {  	v5 =	vld.idx.msk [tilespmem:v5+s24+$0x0], $0xffff  }
0x349: {  	[tilespmem:s23+$0xA0] =	vst v4;
	v3 =	vld.idx.msk [tilespmem:v3+s24+$0x0], $0xffff  }
0x34a: {  	[tilespmem:s23+$0xFFFFFFA0] =	vst v6;
	v4 =	vld [tilespmem:s5+$0xB0]  }
0x34b: {  	v6 =	vld [tilespmem:s5+$0xFFFFFFB0];
	[tilespmem:s23+$0x20] =	vst v1  }
0x34c: {  	v1 =	vld [tilespmem:s5+$0x30]  }
0x34d: {  	[tilespmem:s30+$0xFFFFFFE0] =	vst v8;
	v7 =	vld.idx.msk [tilespmem:v7+s24+$0x0], $0xffff  }
0x34e: {  	[tilespmem:s23+$0xFFFFFF20] =	vst v5;
	v2 =	vld.idx.msk [tilespmem:v2+s24+$0x0], $0xffff  }
0x34f: {  	v5 =	vld [tilespmem:s5+$0xFFFFFF30];
	[tilespmem:s30+$0xFFFFFF60] =	vst v3  }
0x350: {  	v3 =	vld [tilespmem:s1+$0xFFFFFF70]  }
0x351: {  	v8 =	vld [tilespmem:s1+$0xFFFFFFF0]  }
0x352: {  	v4 =	vld.idx.msk [tilespmem:v4+s24+$0x0], $0xffff  }
0x353: {  	v9 =	vld.idx.msk [tilespmem:v6+s24+$0x0], $0xffff;
	[tilespmem:s30+$0x60] =	vst v7  }
0x354: {  	v7 =	vld.idx.msk [tilespmem:v1+s24+$0x0], $0xffff;
	[tilespmem:s30+$0xF0] =	vst v2  }
0x355: {  	v2 =	vld [tilespmem:s1+$0x70];
	s1 =	smov.u32 s5  }
0x356: {  	v10 =	vld.idx.msk [tilespmem:v0+s24+$0x0], $0xffff  }
0x357: {  	v6 =	vld.idx.msk [tilespmem:v5+s24+$0x0], $0xffff  }
.Ltmp3:
0x358: {  	[tilespmem:s23+$0xB0] =	vst v4;
	v1 =	vld.idx.msk [tilespmem:v3+s24+$0x0], $0xffff;
	(pc) =	sbr.rel @p1 .LBB2_8-.Ltmp3, $4  }
0x359: {  	[tilespmem:s23+$0xFFFFFFB0] =	vst v9;
	v5 =	vld [tilespmem:s5+$0xC0]  }
0x35a: {  	v3 =	vld [tilespmem:s5+$0xFFFFFFC0];
	[tilespmem:s23+$0x30] =	vst v7;
	v0 =	vmov v2  }
0x35b: {  	v4 =	vld [tilespmem:s5+$0x40]  }
0x35c: {  	s5 =	sadd.s32 $0x200, s5;
	v2 =	vld.idx.msk [tilespmem:v8+s24+$0x0], $0xffff;
	[tilespmem:s2+$0x70] =	vst v10;
	s2 =	smov.u32 s30;
	s30 =	smov.u32 s23  }
0x35d: {  	[tilespmem:s23+$0xFFFFFF30] =	vst v6  }
0x35e: {  	v6 =	vld [tilespmem:s1+$0xFFFFFF40];
	_ =	sdelay $0x4  }
0x35f: {  	v5 =	vld.idx.msk [tilespmem:v5+s24+$0x0], $0xffff  }
0x360: {  	v3 =	vld.idx.msk [tilespmem:v3+s24+$0x0], $0xffff  }
0x361: {  	v4 =	vld.idx.msk [tilespmem:v4+s24+$0x0], $0xffff  }
0x362: {  	v6 =	vld.idx.msk [tilespmem:v6+s24+$0x0], $0xffff;
	_ =	sdelay $0x1  }
0x363: {  	[tilespmem:s23+$0xC0] =	vst v5  }
0x364: {  	v5 =	vld [tilespmem:s1+$0xD0];
	[tilespmem:s23+$0xFFFFFFC0] =	vst v3  }
0x365: {  	[tilespmem:s30+$0x40] =	vst v4;
	v4 =	vld [tilespmem:s1+$0xFFFFFFD0]  }
0x366: {  	[tilespmem:s30+$0xFFFFFF40] =	vst v6;
	v6 =	vld [tilespmem:s1+$0x50]  }
0x367: {  	v3 =	vld [tilespmem:s1+$0xFFFFFF50];
	_ =	sdelay $0x4  }
0x368: {  	v5 =	vld.idx.msk [tilespmem:v5+s24+$0x0], $0xffff  }
0x369: {  	v4 =	vld.idx.msk [tilespmem:v4+s24+$0x0], $0xffff  }
0x36a: {  	v6 =	vld.idx.msk [tilespmem:v6+s24+$0x0], $0xffff  }
0x36b: {  	v3 =	vld.idx.msk [tilespmem:v3+s24+$0x0], $0xffff;
	_ =	sdelay $0x1  }
0x36c: {  	[tilespmem:s30+$0xD0] =	vst v5  }
0x36d: {  	v5 =	vld [tilespmem:s1+$0xE0];
	[tilespmem:s30+$0xFFFFFFD0] =	vst v4  }
0x36e: {  	v4 =	vld [tilespmem:s1+$0xFFFFFFE0];
	[tilespmem:s30+$0x50] =	vst v6  }
0x36f: {  	[tilespmem:s30+$0xFFFFFF50] =	vst v3;
	v6 =	vld [tilespmem:s1+$0x60]  }
0x370: {  	v3 =	vld [tilespmem:s1+$0xFFFFFF60];
	_ =	sdelay $0x4  }
0x371: {  	v5 =	vld.idx.msk [tilespmem:v5+s24+$0x0], $0xffff  }
0x372: {  	v4 =	vld.idx.msk [tilespmem:v4+s24+$0x0], $0xffff  }
0x373: {  	v6 =	vld.idx.msk [tilespmem:v6+s24+$0x0], $0xffff  }
0x374: {  	v3 =	vld.idx.msk [tilespmem:v3+s24+$0x0], $0xffff;
	_ =	sdelay $0x1  }
0x375: {  	[tilespmem:s30+$0xE0] =	vst v5  }
0x376: {  	v5 =	vld [tilespmem:s1+$0xF0];
	[tilespmem:s30+$0xFFFFFFE0] =	vst v4  }
0x377: {  	v4 =	vld [tilespmem:s1+$0xFFFFFFF0];
	[tilespmem:s30+$0x60] =	vst v6  }
0x378: {  	[tilespmem:s30+$0xFFFFFF60] =	vst v3;
	v6 =	vld [tilespmem:s1+$0x70]  }
0x379: {  	v3 =	vld [tilespmem:s1+$0xFFFFFF70];
	_ =	sdelay $0x3  }
0x37a: {  	v0 =	vld.idx.msk [tilespmem:v0+s24+$0x0], $0xffff  }
0x37b: {  	v5 =	vld.idx.msk [tilespmem:v5+s24+$0x0], $0xffff  }
0x37c: {  	[tilespmem:s2+$0xFFFFFF70] =	vst v1;
	v1 =	vld.idx.msk [tilespmem:v4+s24+$0x0], $0xffff  }
0x37d: {  	[tilespmem:s2+$0xFFFFFFF0] =	vst v2;
	v2 =	vld.idx.msk [tilespmem:v6+s24+$0x0], $0xffff  }
0x37e: {  	v3 =	vld.idx.msk [tilespmem:v3+s24+$0x0], $0xffff  }
0x37f: {  	[tilespmem:s2+$0x70] =	vst v0  }
0x380: {  	[tilespmem:s30+$0xF0] =	vst v5  }
0x381: {  	[tilespmem:s30+$0xFFFFFFF0] =	vst v1  }
0x382: {  	[tilespmem:s30+$0x70] =	vst v2  }
0x383: {  	s23 =	simm.s32 $0x1DB70;
	[tilespmem:s30+$0xFFFFFF70] =	vst v3  }
0x384: {  	[hbm4b:s17+s20] =	stream.strided.scatter [tilespmem:s23], [sflag:$0x5], $0x1400, s21, s20, $0x38;
	[tilespmem:$0x1EF70] =	vst v63  }
0x385: {  	_ =	swait.ge [sflag:s26], $0x1400  }
0x386: {  	[sflag:s26] =	ssyncset.done $0x0  }
0x387: {  	[sflag:s26] =	ssyncadd.s32 $0xFFFFEC00  }
0x388: {  	_ =	swait.ge [sflag:s31], $0x1400  }
0x389: {  	[sflag:s31] =	ssyncset.done $0x0  }
0x38a: {  	s4 =	simm.s32 $0x1A070;
	[sflag:s31] =	ssyncadd.s32 $0xFFFFEC00  }
0x38b: {  	v0 =	vld [tilespmem:s4+$0x80]  }
0x38c: {  	v1 =	vld [tilespmem:s4+$0xFFFFFF80]  }
0x38d: {  	v2 =	vld [tilespmem:s4+$0x0];
	_ =	sdelay $0x2  }
0x38e: {  	v3 =	vld [tilespmem:s4+$0xFFFFFF00];
	_ =	sdelay $0x2  }
0x38f: {  	v0 =	vld.idx.msk [tilespmem:v0+s24+$0x0], $0xffff  }
0x390: {  	v1 =	vld.idx.msk [tilespmem:v1+s24+$0x0], $0xffff  }
0x391: {  	v2 =	vld.idx.msk [tilespmem:v2+s24+$0x0], $0xffff;
	_ =	sdelay $0x1  }
0x392: {  	s2 =	simm.s32 $0x1C870  }
0x393: {  	v3 =	vld.idx.msk [tilespmem:v3+s24+$0x0], $0xffff;
	[tilespmem:s2+$0x80] =	vst v0  }
0x394: {  	[tilespmem:s2+$0xFFFFFF80] =	vst v1;
	v0 =	vld [tilespmem:s4+$0x90]  }
0x395: {  	[tilespmem:s2+$0x0] =	vst v2;
	v1 =	vld [tilespmem:s4+$0xFFFFFF90]  }
0x396: {  	v2 =	vld [tilespmem:s4+$0x10];
	_ =	sdelay $0x1  }
0x397: {  	[tilespmem:s2+$0xFFFFFF00] =	vst v3  }
0x398: {  	v3 =	vld [tilespmem:s4+$0xFFFFFF10];
	_ =	sdelay $0x2  }
0x399: {  	v0 =	vld.idx.msk [tilespmem:v0+s24+$0x0], $0xffff  }
0x39a: {  	v1 =	vld.idx.msk [tilespmem:v1+s24+$0x0], $0xffff  }
0x39b: {  	v2 =	vld.idx.msk [tilespmem:v2+s24+$0x0], $0xffff;
	_ =	sdelay $0x2  }
0x39c: {  	v3 =	vld.idx.msk [tilespmem:v3+s24+$0x0], $0xffff;
	[tilespmem:s2+$0x90] =	vst v0  }
0x39d: {  	[tilespmem:s2+$0xFFFFFF90] =	vst v1;
	v0 =	vld [tilespmem:s4+$0xA0]  }
0x39e: {  	[tilespmem:s2+$0x10] =	vst v2;
	v1 =	vld [tilespmem:s4+$0xFFFFFFA0]  }
0x39f: {  	v2 =	vld [tilespmem:s4+$0x20];
	_ =	sdelay $0x1  }
0x3a0: {  	[tilespmem:s2+$0xFFFFFF10] =	vst v3  }
0x3a1: {  	v3 =	vld [tilespmem:s4+$0xFFFFFF20]  }
0x3a2: {  	s1 =	simm.s32 $0x1A270  }
0x3a3: {  	v4 =	vld [tilespmem:s1+$0x80]  }
0x3a4: {  	v0 =	vld.idx.msk [tilespmem:v0+s24+$0x0], $0xffff  }
0x3a5: {  	v1 =	vld.idx.msk [tilespmem:v1+s24+$0x0], $0xffff  }
0x3a6: {  	v2 =	vld.idx.msk [tilespmem:v2+s24+$0x0], $0xffff;
	_ =	sdelay $0x1  }
0x3a7: {  	v5 =	vld [tilespmem:s1+$0xFFFFFF80]  }
0x3a8: {  	v3 =	vld.idx.msk [tilespmem:v3+s24+$0x0], $0xffff;
	[tilespmem:s2+$0xA0] =	vst v0  }
0x3a9: {  	[tilespmem:s2+$0xFFFFFFA0] =	vst v1;
	v0 =	vld [tilespmem:s4+$0xB0]  }
0x3aa: {  	[tilespmem:s2+$0x20] =	vst v2;
	v1 =	vld [tilespmem:s4+$0xFFFFFFB0]  }
0x3ab: {  	v2 =	vld [tilespmem:s4+$0x30];
	_ =	sdelay $0x1  }
0x3ac: {  	v4 =	vld.idx.msk [tilespmem:v4+s24+$0x0], $0xffff;
	[tilespmem:s2+$0xFFFFFF20] =	vst v3  }
0x3ad: {  	v3 =	vld [tilespmem:s4+$0xFFFFFF30]  }
0x3ae: {  	v5 =	vld.idx.msk [tilespmem:v5+s24+$0x0], $0xffff  }
0x3af: {  	v6 =	vld [tilespmem:s1+$0x0]  }
0x3b0: {  	v0 =	vld.idx.msk [tilespmem:v0+s24+$0x0], $0xffff  }
0x3b1: {  	s23 =	simm.s32 $0x1CA70;
	v1 =	vld.idx.msk [tilespmem:v1+s24+$0x0], $0xffff  }
0x3b2: {  	[tilespmem:s23+$0x80] =	vst v4;
	v2 =	vld.idx.msk [tilespmem:v2+s24+$0x0], $0xffff  }
0x3b3: {  	[tilespmem:s23+$0xFFFFFF80] =	vst v5;
	v4 =	vld [tilespmem:s1+$0x90]  }
0x3b4: {  	v5 =	vld [tilespmem:s1+$0xFFFFFF90]  }
0x3b5: {  	v3 =	vld.idx.msk [tilespmem:v3+s24+$0x0], $0xffff;
	[tilespmem:s2+$0xB0] =	vst v0  }
0x3b6: {  	[tilespmem:s2+$0xFFFFFFB0] =	vst v1;
	v0 =	vld [tilespmem:s4+$0xC0]  }
0x3b7: {  	[tilespmem:s2+$0x30] =	vst v2;
	v1 =	vld [tilespmem:s4+$0xFFFFFFC0]  }
0x3b8: {  	v2 =	vld [tilespmem:s4+$0x40]  }
0x3b9: {  	v7 =	vld [tilespmem:s1+$0xFFFFFF00]  }
0x3ba: {  	v6 =	vld.idx.msk [tilespmem:v6+s24+$0x0], $0xffff  }
0x3bb: {  	v4 =	vld.idx.msk [tilespmem:v4+s24+$0x0], $0xffff;
	[tilespmem:s2+$0xFFFFFF30] =	vst v3  }
0x3bc: {  	v3 =	vld [tilespmem:s4+$0xFFFFFF40]  }
0x3bd: {  	v5 =	vld.idx.msk [tilespmem:v5+s24+$0x0], $0xffff  }
0x3be: {  	v0 =	vld.idx.msk [tilespmem:v0+s24+$0x0], $0xffff  }
0x3bf: {  	v1 =	vld.idx.msk [tilespmem:v1+s24+$0x0], $0xffff  }
0x3c0: {  	[tilespmem:s23+$0x0] =	vst v6;
	v2 =	vld.idx.msk [tilespmem:v2+s24+$0x0], $0xffff  }
0x3c1: {  	[tilespmem:s23+$0x90] =	vst v4  }
0x3c2: {  	v7 =	vld.idx.msk [tilespmem:v7+s24+$0x0], $0xffff;
	[tilespmem:s23+$0xFFFFFF90] =	vst v5  }
0x3c3: {  	v5 =	vld [tilespmem:s1+$0xA0];
	[tilespmem:s2+$0xC0] =	vst v0  }
0x3c4: {  	[tilespmem:s2+$0xFFFFFFC0] =	vst v1;
	v1 =	vld.idx.msk [tilespmem:v3+s24+$0x0], $0xffff  }
0x3c5: {  	[tilespmem:s2+$0x40] =	vst v2;
	v2 =	vld [tilespmem:s1+$0x10]  }
0x3c6: {  	v0 =	vld [tilespmem:s4+$0xD0]  }
0x3c7: {  	v3 =	vld [tilespmem:s4+$0xFFFFFFD0]  }
0x3c8: {  	[tilespmem:s23+$0xFFFFFF00] =	vst v7;
	v6 =	vld [tilespmem:s4+$0x50]  }
0x3c9: {  	[tilespmem:s2+$0xFFFFFF40] =	vst v1;
	v1 =	vld [tilespmem:s1+$0xFFFFFF10]  }
0x3ca: {  	v7 =	vld [tilespmem:s4+$0xFFFFFF50];
	_ =	sdelay $0x1  }
0x3cb: {  	v5 =	vld.idx.msk [tilespmem:v5+s24+$0x0], $0xffff  }
0x3cc: {  	v2 =	vld.idx.msk [tilespmem:v2+s24+$0x0], $0xffff  }
0x3cd: {  	v0 =	vld.idx.msk [tilespmem:v0+s24+$0x0], $0xffff  }
0x3ce: {  	v3 =	vld.idx.msk [tilespmem:v3+s24+$0x0], $0xffff  }
0x3cf: {  	v6 =	vld.idx.msk [tilespmem:v6+s24+$0x0], $0xffff  }
0x3d0: {  	v1 =	vld.idx.msk [tilespmem:v1+s24+$0x0], $0xffff  }
0x3d1: {  	v4 =	vld.idx.msk [tilespmem:v7+s24+$0x0], $0xffff  }
0x3d2: {  	[tilespmem:s23+$0x10] =	vst v2;
	v7 =	vld [tilespmem:s1+$0xFFFFFFA0]  }
0x3d3: {  	[tilespmem:s2+$0xD0] =	vst v0;
	v2 =	vld [tilespmem:s1+$0x20]  }
0x3d4: {  	[tilespmem:s2+$0xFFFFFFD0] =	vst v3;
	v0 =	vld [tilespmem:s4+$0xE0]  }
0x3d5: {  	v3 =	vld [tilespmem:s4+$0xFFFFFFE0];
	[tilespmem:s23+$0xFFFFFF10] =	vst v1  }
0x3d6: {  	v1 =	vld [tilespmem:s1+$0xFFFFFF20];
	[tilespmem:s2+$0xFFFFFF50] =	vst v4  }
0x3d7: {  	[tilespmem:s23+$0xA0] =	vst v5;
	v4 =	vld [tilespmem:s4+$0xFFFFFF60]  }
0x3d8: {  	v5 =	vld [tilespmem:s1+$0xB0];
	[tilespmem:s2+$0x50] =	vst v6  }
0x3d9: {  	v6 =	vld [tilespmem:s4+$0x60]  }
0x3da: {  	v7 =	vld.idx.msk [tilespmem:v7+s24+$0x0], $0xffff  }
0x3db: {  	v2 =	vld.idx.msk [tilespmem:v2+s24+$0x0], $0xffff  }
0x3dc: {  	v0 =	vld.idx.msk [tilespmem:v0+s24+$0x0], $0xffff  }
0x3dd: {  	v3 =	vld.idx.msk [tilespmem:v3+s24+$0x0], $0xffff  }
0x3de: {  	v1 =	vld.idx.msk [tilespmem:v1+s24+$0x0], $0xffff  }
0x3df: {  	[tilespmem:s23+$0xFFFFFFA0] =	vst v7;
	v4 =	vld.idx.msk [tilespmem:v4+s24+$0x0], $0xffff  }
0x3e0: {  	[tilespmem:s23+$0x20] =	vst v2;
	v7 =	vld [tilespmem:s1+$0xFFFFFFB0]  }
0x3e1: {  	[tilespmem:s2+$0xE0] =	vst v0;
	v2 =	vld [tilespmem:s1+$0x30]  }
0x3e2: {  	v0 =	vld [tilespmem:s4+$0xF0]  }
0x3e3: {  	v6 =	vld.idx.msk [tilespmem:v6+s24+$0x0], $0xffff;
	[tilespmem:s23+$0xFFFFFF20] =	vst v1  }
0x3e4: {  	[tilespmem:s2+$0xFFFFFFE0] =	vst v3;
	v1 =	vld [tilespmem:s1+$0xFFFFFF30]  }
0x3e5: {  	v3 =	vld.idx.msk [tilespmem:v5+s24+$0x0], $0xffff;
	[tilespmem:s2+$0xFFFFFF60] =	vst v4  }
0x3e6: {  	v4 =	vld [tilespmem:s4+$0xFFFFFF70]  }
0x3e7: {  	v9 =	vld [tilespmem:s4+$0xFFFFFFF0]  }
0x3e8: {  	v5 =	vld.idx.msk [tilespmem:v7+s24+$0x0], $0xffff  }
0x3e9: {  	v2 =	vld.idx.msk [tilespmem:v2+s24+$0x0], $0xffff  }
0x3ea: {  	[tilespmem:s2+$0x60] =	vst v6;
	v8 =	vld.idx.msk [tilespmem:v0+s24+$0x0], $0xffff  }
0x3eb: {  	v0 =	vld [tilespmem:s4+$0x70]  }
0x3ec: {  	[tilespmem:s23+$0xB0] =	vst v3;
	v6 =	vld.idx.msk [tilespmem:v1+s24+$0x0], $0xffff  }
0x3ed: {  	[tilespmem:s23+$0xFFFFFFB0] =	vst v5;
	v5 =	vld [tilespmem:s1+$0xC0]  }
0x3ee: {  	v1 =	vld.idx.msk [tilespmem:v4+s24+$0x0], $0xffff  }
0x3ef: {  	[tilespmem:s23+$0x30] =	vst v2;
	v2 =	vld.idx.msk [tilespmem:v9+s24+$0x0], $0xffff  }
0x3f0: {  	v3 =	vld [tilespmem:s1+$0xFFFFFFC0]  }
0x3f1: {  	s5 =	simm.s32 $0x1A470;
	s30 =	simm.s32 $0x1CA70;
	s4 =	simm.s32 $0x4;
	v4 =	vld [tilespmem:s1+$0x40];
	[tilespmem:s2+$0xF0] =	vst v8  }
.LBB2_10:
0x3f2: {  	v7 =	vld [tilespmem:s5+$0x80];
	s4 =	sadd.s32 $0x4, s4;
	[tilespmem:s23+$0xFFFFFF30] =	vst v6  }
0x3f3: {  	v6 =	vld [tilespmem:s5+$0xFFFFFF80];
	p1 =	slt.u32 s4, $0x24;
	[tilespmem:s2+$0xFFFFFF70] =	vst v1  }
0x3f4: {  	v1 =	vld [tilespmem:s5+$0x0]  }
0x3f5: {  	v8 =	vld [tilespmem:s5+$0xFFFFFF00]  }
0x3f6: {  	v5 =	vld.idx.msk [tilespmem:v5+s24+$0x0], $0xffff  }
0x3f7: {  	v9 =	vld [tilespmem:s1+$0xFFFFFF40];
	[tilespmem:s2+$0xFFFFFFF0] =	vst v2  }
0x3f8: {  	v2 =	vld.idx.msk [tilespmem:v3+s24+$0x0], $0xffff  }
0x3f9: {  	v3 =	vld.idx.msk [tilespmem:v4+s24+$0x0], $0xffff  }
0x3fa: {  	v4 =	vld.idx.msk [tilespmem:v7+s24+$0x0], $0xffff  }
0x3fb: {  	v6 =	vld.idx.msk [tilespmem:v6+s24+$0x0], $0xffff  }
0x3fc: {  	v1 =	vld.idx.msk [tilespmem:v1+s24+$0x0], $0xffff;
	[tilespmem:s23+$0xC0] =	vst v5  }
0x3fd: {  	v5 =	vld [tilespmem:s1+$0xD0]  }
0x3fe: {  	v7 =	vld.idx.msk [tilespmem:v8+s24+$0x0], $0xffff;
	[tilespmem:s23+$0xFFFFFFC0] =	vst v2  }
0x3ff: {  	s23 =	sadd.s32 $0x200, s23;
	v2 =	vld.idx.msk [tilespmem:v9+s24+$0x0], $0xffff;
	[tilespmem:s30+$0x40] =	vst v3  }
0x400: {  	[tilespmem:s23+$0x80] =	vst v4;
	v3 =	vld [tilespmem:s1+$0xFFFFFFD0]  }
0x401: {  	[tilespmem:s23+$0xFFFFFF80] =	vst v6;
	v4 =	vld [tilespmem:s5+$0x90]  }
0x402: {  	v6 =	vld [tilespmem:s5+$0xFFFFFF90];
	[tilespmem:s23+$0x0] =	vst v1  }
0x403: {  	v1 =	vld [tilespmem:s5+$0x10]  }
0x404: {  	[tilespmem:s23+$0xFFFFFF00] =	vst v7;
	v7 =	vld [tilespmem:s1+$0x50]  }
0x405: {  	[tilespmem:s30+$0xFFFFFF40] =	vst v2;
	v2 =	vld.idx.msk [tilespmem:v5+s24+$0x0], $0xffff  }
0x406: {  	v5 =	vld [tilespmem:s5+$0xFFFFFF10]  }
0x407: {  	v8 =	vld [tilespmem:s1+$0xFFFFFF50]  }
0x408: {  	v3 =	vld.idx.msk [tilespmem:v3+s24+$0x0], $0xffff  }
0x409: {  	v4 =	vld.idx.msk [tilespmem:v4+s24+$0x0], $0xffff  }
0x40a: {  	v6 =	vld.idx.msk [tilespmem:v6+s24+$0x0], $0xffff  }
0x40b: {  	v1 =	vld.idx.msk [tilespmem:v1+s24+$0x0], $0xffff;
	[tilespmem:s30+$0xD0] =	vst v2  }
0x40c: {  	v2 =	vld [tilespmem:s1+$0xE0]  }
0x40d: {  	v7 =	vld.idx.msk [tilespmem:v7+s24+$0x0], $0xffff  }
0x40e: {  	v5 =	vld.idx.msk [tilespmem:v5+s24+$0x0], $0xffff;
	[tilespmem:s30+$0xFFFFFFD0] =	vst v3  }
0x40f: {  	[tilespmem:s23+$0x90] =	vst v4;
	v3 =	vld.idx.msk [tilespmem:v8+s24+$0x0], $0xffff  }
0x410: {  	[tilespmem:s23+$0xFFFFFF90] =	vst v6;
	v4 =	vld [tilespmem:s5+$0xA0]  }
0x411: {  	v6 =	vld [tilespmem:s5+$0xFFFFFFA0];
	[tilespmem:s23+$0x10] =	vst v1  }
0x412: {  	v1 =	vld [tilespmem:s5+$0x20]  }
0x413: {  	v8 =	vld [tilespmem:s1+$0xFFFFFFE0];
	[tilespmem:s30+$0x50] =	vst v7  }
0x414: {  	[tilespmem:s23+$0xFFFFFF10] =	vst v5;
	v2 =	vld.idx.msk [tilespmem:v2+s24+$0x0], $0xffff  }
0x415: {  	v5 =	vld [tilespmem:s5+$0xFFFFFF20];
	[tilespmem:s30+$0xFFFFFF50] =	vst v3  }
0x416: {  	v3 =	vld [tilespmem:s1+$0xFFFFFF60]  }
0x417: {  	v7 =	vld [tilespmem:s1+$0x60]  }
0x418: {  	v4 =	vld.idx.msk [tilespmem:v4+s24+$0x0], $0xffff  }
0x419: {  	v6 =	vld.idx.msk [tilespmem:v6+s24+$0x0], $0xffff  }
0x41a: {  	v1 =	vld.idx.msk [tilespmem:v1+s24+$0x0], $0xffff;
	[tilespmem:s30+$0xE0] =	vst v2  }
0x41b: {  	v2 =	vld [tilespmem:s1+$0xF0]  }
0x41c: {  	v8 =	vld.idx.msk [tilespmem:v8+s24+$0x0], $0xffff  }
0x41d: {  	v5 =	vld.idx.msk [tilespmem:v5+s24+$0x0], $0xffff  }
0x41e: {  	[tilespmem:s23+$0xA0] =	vst v4;
	v3 =	vld.idx.msk [tilespmem:v3+s24+$0x0], $0xffff  }
0x41f: {  	[tilespmem:s23+$0xFFFFFFA0] =	vst v6;
	v4 =	vld [tilespmem:s5+$0xB0]  }
0x420: {  	v6 =	vld [tilespmem:s5+$0xFFFFFFB0];
	[tilespmem:s23+$0x20] =	vst v1  }
0x421: {  	v1 =	vld [tilespmem:s5+$0x30]  }
0x422: {  	[tilespmem:s30+$0xFFFFFFE0] =	vst v8;
	v7 =	vld.idx.msk [tilespmem:v7+s24+$0x0], $0xffff  }
0x423: {  	[tilespmem:s23+$0xFFFFFF20] =	vst v5;
	v2 =	vld.idx.msk [tilespmem:v2+s24+$0x0], $0xffff  }
0x424: {  	v5 =	vld [tilespmem:s5+$0xFFFFFF30];
	[tilespmem:s30+$0xFFFFFF60] =	vst v3  }
0x425: {  	v3 =	vld [tilespmem:s1+$0xFFFFFF70]  }
0x426: {  	v8 =	vld [tilespmem:s1+$0xFFFFFFF0]  }
0x427: {  	v4 =	vld.idx.msk [tilespmem:v4+s24+$0x0], $0xffff  }
0x428: {  	v9 =	vld.idx.msk [tilespmem:v6+s24+$0x0], $0xffff;
	[tilespmem:s30+$0x60] =	vst v7  }
0x429: {  	v7 =	vld.idx.msk [tilespmem:v1+s24+$0x0], $0xffff;
	[tilespmem:s30+$0xF0] =	vst v2  }
0x42a: {  	v2 =	vld [tilespmem:s1+$0x70];
	s1 =	smov.u32 s5  }
0x42b: {  	v10 =	vld.idx.msk [tilespmem:v0+s24+$0x0], $0xffff  }
0x42c: {  	v6 =	vld.idx.msk [tilespmem:v5+s24+$0x0], $0xffff  }
.Ltmp4:
0x42d: {  	[tilespmem:s23+$0xB0] =	vst v4;
	v1 =	vld.idx.msk [tilespmem:v3+s24+$0x0], $0xffff;
	(pc) =	sbr.rel @p1 .LBB2_10-.Ltmp4, $4  }
0x42e: {  	[tilespmem:s23+$0xFFFFFFB0] =	vst v9;
	v5 =	vld [tilespmem:s5+$0xC0]  }
0x42f: {  	v3 =	vld [tilespmem:s5+$0xFFFFFFC0];
	[tilespmem:s23+$0x30] =	vst v7;
	v0 =	vmov v2  }
0x430: {  	v4 =	vld [tilespmem:s5+$0x40]  }
0x431: {  	s5 =	sadd.s32 $0x200, s5;
	v2 =	vld.idx.msk [tilespmem:v8+s24+$0x0], $0xffff;
	[tilespmem:s2+$0x70] =	vst v10;
	s2 =	smov.u32 s30;
	s30 =	smov.u32 s23  }
0x432: {  	[tilespmem:s23+$0xFFFFFF30] =	vst v6  }
0x433: {  	v6 =	vld [tilespmem:s1+$0xFFFFFF40];
	_ =	sdelay $0x4  }
0x434: {  	v5 =	vld.idx.msk [tilespmem:v5+s24+$0x0], $0xffff  }
0x435: {  	v3 =	vld.idx.msk [tilespmem:v3+s24+$0x0], $0xffff  }
0x436: {  	v4 =	vld.idx.msk [tilespmem:v4+s24+$0x0], $0xffff  }
0x437: {  	v6 =	vld.idx.msk [tilespmem:v6+s24+$0x0], $0xffff;
	_ =	sdelay $0x1  }
0x438: {  	[tilespmem:s23+$0xC0] =	vst v5  }
0x439: {  	v5 =	vld [tilespmem:s1+$0xD0];
	[tilespmem:s23+$0xFFFFFFC0] =	vst v3  }
0x43a: {  	[tilespmem:s30+$0x40] =	vst v4;
	v60 =	vld [tilespmem:s1+$0xFFFFFFD0]  }
0x43b: {  	v61 =	vld [tilespmem:s1+$0x50];
	[tilespmem:s30+$0xFFFFFF40] =	vst v6  }
0x43c: {  	v59 =	vld [tilespmem:s1+$0xFFFFFF50];
	_ =	sdelay $0x4  }
0x43d: {  	v5 =	vld.idx.msk [tilespmem:v5+s24+$0x0], $0xffff  }
0x43e: {  	v4 =	vld.idx.msk [tilespmem:v60+s24+$0x0], $0xffff  }
0x43f: {  	v6 =	vld.idx.msk [tilespmem:v61+s24+$0x0], $0xffff  }
0x440: {  	v3 =	vld.idx.msk [tilespmem:v59+s24+$0x0], $0xffff;
	_ =	sdelay $0x1  }
0x441: {  	[tilespmem:s30+$0xD0] =	vst v5  }
0x442: {  	v5 =	vld [tilespmem:s1+$0xE0];
	[tilespmem:s30+$0xFFFFFFD0] =	vst v4  }
0x443: {  	v4 =	vld [tilespmem:s1+$0xFFFFFFE0];
	[tilespmem:s30+$0x50] =	vst v6  }
0x444: {  	v6 =	vld [tilespmem:s1+$0x60];
	[tilespmem:s30+$0xFFFFFF50] =	vst v3  }
0x445: {  	v3 =	vld [tilespmem:s1+$0xFFFFFF60];
	_ =	sdelay $0x4  }
0x446: {  	v5 =	vld.idx.msk [tilespmem:v5+s24+$0x0], $0xffff  }
0x447: {  	v4 =	vld.idx.msk [tilespmem:v4+s24+$0x0], $0xffff  }
0x448: {  	v6 =	vld.idx.msk [tilespmem:v6+s24+$0x0], $0xffff  }
0x449: {  	v3 =	vld.idx.msk [tilespmem:v3+s24+$0x0], $0xffff;
	_ =	sdelay $0x1  }
0x44a: {  	[tilespmem:s30+$0xE0] =	vst v5  }
0x44b: {  	v5 =	vld [tilespmem:s1+$0xF0];
	[tilespmem:s30+$0xFFFFFFE0] =	vst v4  }
0x44c: {  	v4 =	vld [tilespmem:s1+$0xFFFFFFF0];
	[tilespmem:s30+$0x60] =	vst v6  }
0x44d: {  	v6 =	vld [tilespmem:s1+$0x70];
	[tilespmem:s30+$0xFFFFFF60] =	vst v3  }
0x44e: {  	v3 =	vld [tilespmem:s1+$0xFFFFFF70];
	_ =	sdelay $0x3  }
0x44f: {  	v0 =	vld.idx.msk [tilespmem:v0+s24+$0x0], $0xffff  }
0x450: {  	v5 =	vld.idx.msk [tilespmem:v5+s24+$0x0], $0xffff  }
0x451: {  	v62 =	vld.idx.msk [tilespmem:v4+s24+$0x0], $0xffff  }
0x452: {  	[tilespmem:s2+$0xFFFFFF70] =	vst v1;
	v63 =	vld.idx.msk [tilespmem:v6+s24+$0x0], $0xffff  }
0x453: {  	[tilespmem:s2+$0xFFFFFFF0] =	vst v2;
	v3 =	vld.idx.msk [tilespmem:v3+s24+$0x0], $0xffff  }
0x454: {  	[tilespmem:s2+$0x70] =	vst v0  }
0x455: {  	[tilespmem:s30+$0xF0] =	vst v5  }
0x456: {  	[tilespmem:s30+$0xFFFFFFF0] =	vst v62  }
0x457: {  	[tilespmem:s30+$0x70] =	vst v63  }
0x458: {  	s3 =	sadd.s32 $0x1, s3;
	[tilespmem:s30+$0xFFFFFF70] =	vst v3  }
0x459: {  	[hbm4b:s18+s20] =	stream.strided.scatter [tilespmem:s28], [sflag:$0x4], $0x1400, s21, s20, $0x38;
	[tilespmem:$0x1EF70] =	vst v63  }
0x45a: {  	p1 =	sne.s32 s3, s19;
	_ =	swait.ge [sflag:s0], $0x1400  }
.Ltmp5:
0x45b: {  	[sflag:s0] =	ssyncset.done $0x0;
	(pc) =	sbr.rel @p1 .LBB2_1-.Ltmp5, $4  }
0x45c: {  	[sflag:s0] =	ssyncadd.s32 $0xFFFFEC00  }
0x45d: {  	_ =	swait.ge [sflag:s31], $0x1400  }
0x45e: {  	[sflag:s31] =	ssyncset.done $0x0  }
0x45f: {  	[sflag:s31] =	ssyncadd.s32 $0xFFFFEC00  }
0x460: {  	_ =	sfence.sel $0x180000  }
0x461: {  	[bflag:$0x0] =	sbarrier.arrive $0xFFFF  }
0x462: {  	_ =	strace $0x90000047  }
0x463: {  	s0 =	stileid.u32;
	[bflag:$0x2] =	sbarrier.arrive $0xFFFF  }
0x464: {  	p0 =	sne.s32 s0, $0x0;
	s0 =	rddreg [dreg:$0x4]  }
0x465: {  	s0 =	sadd.s32 @!p0 $0x100000, s0  }
0x466: {  	[sflag:s0] =	ssyncadd.tile.s32 @!p0 $0x1;
	_ =	shalt  }
.Lfunc_end2:
_tile_overlayer_lowered:
.L_overlay_start_2:
0x467: {  	(tag) =	ssettag $0x2  }
0x468: {  	s0 =	rddreg [dreg:$0x0];
	s2 =	stileid.u32  }
0x469: {  	s1 =	rddreg [dreg:$0x1];
	p0 =	sne.s32 s2, $0x0  }
0x46a: {  	s3 =	rddreg [dreg:$0x2];
	[bflag:$0x3] =	sbarrier.arrive $0xFFFF;
	s2 =	simm.s32 @!p0 $0x1C06  }
0x46b: {  	[timem:s3], [sflag:s2] =	dma.local @!p0 [hbm:s0], s1  }
0x46c: {  	s0 =	simm.s32 @!p0 $0x6  }
0x46d: {  	_ =	swait.ge @!p0 [sflag:s0], s1  }
0x46e: {  	s1 =	ssub.s32 @!p0 $0x0, s1;
	[sflag:s0] =	ssyncset.done @!p0 $0x0  }
0x46f: {  	[sflag:s0] =	ssyncadd.s32 @!p0 s1  }
0x470: {  	[bflag:$0x3] =	sbarrier.arrive $0xFFFF  }
0x471: {  	_ =	shalt  }

</sc_bundles>
